<compile_context>
chip_gen: v7x
topology: tpu7x:2x2x1
jax: 0.10.2.dev20260603
libtpu: 0.0.44.dev20260713+nightly
codegen_flags: <defaults>
</compile_context>

<pallas_src>
import functools

import jax
import jax.numpy as jnp
from jax import lax
from jax.experimental import pallas as pl
from jax.experimental.pallas import tpu as pltpu
from jax.experimental.pallas import tpu_sc as plsc

_ROWS_PER_BLOCK = 256

_SC_CORES = 2
_SC_SUBCORES = 16
_SC_WORKERS = _SC_CORES * _SC_SUBCORES

_KS0 = 0
_KS1 = 42
_KS2 = 0 ^ 42 ^ 0x1BD11BDA
_TINY = float(jnp.finfo(jnp.float32).tiny)


def _rotl(x, r):
    return jax.lax.shift_left(x, jnp.uint32(r)) | jax.lax.shift_right_logical(
        x, jnp.uint32(32 - r)
    )


def _threefry_gumbel(n_u32):
    x0 = jnp.zeros_like(n_u32) + jnp.uint32(_KS0)
    x1 = n_u32 + jnp.uint32(_KS1)
    rot_a = (13, 15, 26, 6)
    rot_b = (17, 29, 16, 24)
    inject = (
        (_KS1, _KS2, 1),
        (_KS2, _KS0, 2),
        (_KS0, _KS1, 3),
        (_KS1, _KS2, 4),
        (_KS2, _KS0, 5),
    )
    for i, (ka, kb, c) in enumerate(inject):
        for r in rot_a if i % 2 == 0 else rot_b:
            x0 = x0 + x1
            x1 = x0 ^ _rotl(x1, r)
        x0 = x0 + jnp.uint32(ka)
        x1 = x1 + jnp.uint32(kb + c)
    bits = x0 ^ x1
    fb = jax.lax.shift_right_logical(bits, jnp.uint32(9)) | jnp.uint32(
        0x3F800000
    )
    floats = jax.lax.bitcast_convert_type(fb, jnp.float32) - jnp.float32(1.0)
    scale = jnp.float32(1.0) - jnp.float32(_TINY)
    u = jnp.maximum(jnp.float32(_TINY), floats * scale + jnp.float32(_TINY))
    return -jnp.log(-jnp.log(u))


def _sc_copy_kernel(chunk_words, n_chunks, src_ref, dst_ref, buf):
    wid = lax.axis_index("s") * _SC_CORES + lax.axis_index("c")
    base = wid * (chunk_words * n_chunks)
    for j in range(n_chunks):
        off = base + j * chunk_words
        pltpu.sync_copy(src_ref.at[pl.ds(off, chunk_words)], buf)
        pltpu.sync_copy(buf, dst_ref.at[pl.ds(off, chunk_words)])


def _sc_copy(flat):
    (n,) = flat.shape
    per_worker = n // _SC_WORKERS
    chunk = 64000
    n_chunks = per_worker // chunk
    mesh = plsc.VectorSubcoreMesh(core_axis_name="c", subcore_axis_name="s")
    return pl.kernel(
        functools.partial(_sc_copy_kernel, chunk, n_chunks),
        out_type=jax.ShapeDtypeStruct((n,), jnp.float32),
        mesh=mesh,
        scratch_types=[pltpu.VMEM((chunk,), jnp.float32)],
    )(flat)


def _st_block_kernel(l_ref, out_ref, p_ref):
    i = pl.program_id(0)
    l = l_ref[...]
    r, k = l.shape

    e = jnp.exp(l)
    s = jnp.sum(e, axis=1, keepdims=True)
    p_ref[...] = e * (jnp.float32(1.0) / s)

    row = jax.lax.broadcasted_iota(jnp.int32, (r, k), 0) + i * r
    col = jax.lax.broadcasted_iota(jnp.int32, (r, k), 1)
    g = _threefry_gumbel((row * k + col).astype(jnp.uint32))
    v = l + g
    vm = jnp.max(v, axis=1, keepdims=True)
    cand = jnp.where(v == vm, col, k)
    idx = jnp.min(cand, axis=1, keepdims=True)

    out_ref[...] = jnp.where(cand == idx, jnp.float32(1.0), jnp.float32(0.0))


def kernel(logits, eye):
    del eye
    b, k = logits.shape
    lcopy = _sc_copy(logits.reshape(-1)).reshape(b, k)
    r = _ROWS_PER_BLOCK
    spec = pl.BlockSpec((r, k), lambda i: (i, 0))
    out, probs = pl.pallas_call(
        _st_block_kernel,
        grid=(b // r,),
        in_specs=[spec],
        out_specs=[spec, spec],
        out_shape=[
            jax.ShapeDtypeStruct((b, k), jnp.float32),
            jax.ShapeDtypeStruct((b, k), jnp.float32),
        ],
    )(logits)
    return out, lcopy, probs

# --- scband reference (transcript-rebuilt; emitter-appended) ---
"""Pipeline reference for scband-categorical-straight-through-79706003079810 (READ-ONLY COPY).

The authoritative reference and input builder live on the scoring server;
editing this copy changes nothing except your own understanding.
"""

import jax, jax.numpy as jnp
import numpy as np

K = 1000  # latent_shape[0]
B = 16384


def setup_inputs(seed: int = 0) -> dict:
    key = jax.random.key(seed)
    logits = jax.random.normal(key, (B, K), dtype=jnp.float32)
    # one-hot 'embedding' buffer registered in the torch module (self.eye)
    eye = jnp.eye(K, dtype=jnp.float32)
    return {"logits": logits, "eye": eye}


def reference(logits, eye):
    original_shape = logits.shape
    k = eye.shape[0]
    l = logits.reshape(-1, k)
    # self.normalise is forced to False in __init__, so no logsumexp normalisation
    probs = jax.nn.softmax(l, axis=1)
    # self.epsilon = min(0, max(epsilon, 1)) == 0 always, so qprobs == probs
    qprobs = probs
    # torch.multinomial(qprobs, 1) -> categorical sample per row
    idx = jax.random.categorical(jax.random.key(42), jax.lax.stop_gradient(l), axis=-1)
    # onehot embed: self.eye[ind], then view back to probs shape
    sample = eye[idx].reshape(probs.shape)
    # straight-through estimator
    out = (sample + probs - jax.lax.stop_gradient(probs)).reshape(original_shape)
    return out, l, probs

if __name__ == "__main__":
    import jax
    _d = setup_inputs()
    print(jax.jit(kernel)(*tuple(_d.values())))

</pallas_src>

<mosaic_0001>
#map = affine_map<(d0, d1) -> (0)>
module attributes {stable_mosaic.version = 14 : i64} {
  func.func @_sc_copy_kernel(%arg0: i32, %arg1: i32, %arg2: memref<16384000xf32, #tpu.memory_space<hbm>>, %arg3: memref<16384000xf32, #tpu.memory_space<hbm>>, %arg4: memref<64000xf32, #tpu.memory_space<vmem>>) attributes {dimension_semantics = [#tpu.dimension_semantics<core_parallel>, #tpu.dimension_semantics<subcore_parallel>], iteration_bounds = array<i64: 2, 16>, scalar_prefetch = 0 : i64, scratch_operands = 1 : i64, tpu.core_type = #tpu.core_type<sc_vector_subcore>, window_params = [{transform_indices = #map}, {transform_indices = #map}]} {
    %mul3A = arith.constant 2 : i32
    %mul3A_0 = arith.muli %arg1, %mul3A : i32
    %add3A = arith.addi %mul3A_0, %arg0 : i32
    %mul3A_1 = arith.constant 512000 : i32
    %mul3A_2 = arith.muli %add3A, %mul3A_1 : i32
    %add3A_3 = arith.constant 0 : i32
    %add3A_4 = arith.addi %mul3A_2, %add3A_3 : i32
    "tpu.region"() ({
      %run_scoped3A = tpu.sem_alloc : memref<!tpu.dma_semaphore, #tpu.memory_space<semaphore_mem>>
      %dma_start3A = tpu.memref_slice %arg2[%add3A_4] : memref<16384000xf32, #tpu.memory_space<hbm>> -> memref<64000xf32, #tpu.memory_space<hbm>>
      %dma_start3A_19 = tpu.memref_slice %arg2[%add3A_4] : memref<16384000xf32, #tpu.memory_space<hbm>> -> memref<64000xf32, #tpu.memory_space<hbm>>
      tpu.enqueue_dma source(%dma_start3A_19 : memref<64000xf32, #tpu.memory_space<hbm>>) target(%arg4 : memref<64000xf32, #tpu.memory_space<vmem>>) target_semaphore(%run_scoped3A : memref<!tpu.dma_semaphore, #tpu.memory_space<semaphore_mem>>)
      %dma_wait3A = tpu.memref_slice %arg2[%add3A_4] : memref<16384000xf32, #tpu.memory_space<hbm>> -> memref<64000xf32, #tpu.memory_space<hbm>>
      %dma_wait3A_20 = tpu.memref_slice %arg2[%add3A_4] : memref<16384000xf32, #tpu.memory_space<hbm>> -> memref<64000xf32, #tpu.memory_space<hbm>>
      tpu.wait_dma2 semaphore(%run_scoped3A : memref<!tpu.dma_semaphore, #tpu.memory_space<semaphore_mem>>) src(%dma_wait3A_20 : memref<64000xf32, #tpu.memory_space<hbm>>) dst(%arg4 : memref<64000xf32, #tpu.memory_space<vmem>>)
      tpu.yield
    }) : () -> ()
    "tpu.region"() ({
      %run_scoped3A = tpu.sem_alloc : memref<!tpu.dma_semaphore, #tpu.memory_space<semaphore_mem>>
      %dma_start3A = tpu.memref_slice %arg3[%add3A_4] : memref<16384000xf32, #tpu.memory_space<hbm>> -> memref<64000xf32, #tpu.memory_space<hbm>>
      %dma_start3A_19 = tpu.memref_slice %arg3[%add3A_4] : memref<16384000xf32, #tpu.memory_space<hbm>> -> memref<64000xf32, #tpu.memory_space<hbm>>
      tpu.enqueue_dma source(%arg4 : memref<64000xf32, #tpu.memory_space<vmem>>) target(%dma_start3A_19 : memref<64000xf32, #tpu.memory_space<hbm>>) target_semaphore(%run_scoped3A : memref<!tpu.dma_semaphore, #tpu.memory_space<semaphore_mem>>)
      %dma_wait3A = tpu.memref_slice %arg3[%add3A_4] : memref<16384000xf32, #tpu.memory_space<hbm>> -> memref<64000xf32, #tpu.memory_space<hbm>>
      %dma_wait3A_20 = tpu.memref_slice %arg3[%add3A_4] : memref<16384000xf32, #tpu.memory_space<hbm>> -> memref<64000xf32, #tpu.memory_space<hbm>>
      tpu.wait_dma2 semaphore(%run_scoped3A : memref<!tpu.dma_semaphore, #tpu.memory_space<semaphore_mem>>) src(%arg4 : memref<64000xf32, #tpu.memory_space<vmem>>) dst(%dma_wait3A_20 : memref<64000xf32, #tpu.memory_space<hbm>>)
      tpu.yield
    }) : () -> ()
    %add3A_5 = arith.constant 64000 : i32
    %add3A_6 = arith.addi %mul3A_2, %add3A_5 : i32
    "tpu.region"() ({
      %run_scoped3A = tpu.sem_alloc : memref<!tpu.dma_semaphore, #tpu.memory_space<semaphore_mem>>
      %dma_start3A = tpu.memref_slice %arg2[%add3A_6] : memref<16384000xf32, #tpu.memory_space<hbm>> -> memref<64000xf32, #tpu.memory_space<hbm>>
      %dma_start3A_19 = tpu.memref_slice %arg2[%add3A_6] : memref<16384000xf32, #tpu.memory_space<hbm>> -> memref<64000xf32, #tpu.memory_space<hbm>>
      tpu.enqueue_dma source(%dma_start3A_19 : memref<64000xf32, #tpu.memory_space<hbm>>) target(%arg4 : memref<64000xf32, #tpu.memory_space<vmem>>) target_semaphore(%run_scoped3A : memref<!tpu.dma_semaphore, #tpu.memory_space<semaphore_mem>>)
      %dma_wait3A = tpu.memref_slice %arg2[%add3A_6] : memref<16384000xf32, #tpu.memory_space<hbm>> -> memref<64000xf32, #tpu.memory_space<hbm>>
      %dma_wait3A_20 = tpu.memref_slice %arg2[%add3A_6] : memref<16384000xf32, #tpu.memory_space<hbm>> -> memref<64000xf32, #tpu.memory_space<hbm>>
      tpu.wait_dma2 semaphore(%run_scoped3A : memref<!tpu.dma_semaphore, #tpu.memory_space<semaphore_mem>>) src(%dma_wait3A_20 : memref<64000xf32, #tpu.memory_space<hbm>>) dst(%arg4 : memref<64000xf32, #tpu.memory_space<vmem>>)
      tpu.yield
    }) : () -> ()
    "tpu.region"() ({
      %run_scoped3A = tpu.sem_alloc : memref<!tpu.dma_semaphore, #tpu.memory_space<semaphore_mem>>
      %dma_start3A = tpu.memref_slice %arg3[%add3A_6] : memref<16384000xf32, #tpu.memory_space<hbm>> -> memref<64000xf32, #tpu.memory_space<hbm>>
      %dma_start3A_19 = tpu.memref_slice %arg3[%add3A_6] : memref<16384000xf32, #tpu.memory_space<hbm>> -> memref<64000xf32, #tpu.memory_space<hbm>>
      tpu.enqueue_dma source(%arg4 : memref<64000xf32, #tpu.memory_space<vmem>>) target(%dma_start3A_19 : memref<64000xf32, #tpu.memory_space<hbm>>) target_semaphore(%run_scoped3A : memref<!tpu.dma_semaphore, #tpu.memory_space<semaphore_mem>>)
      %dma_wait3A = tpu.memref_slice %arg3[%add3A_6] : memref<16384000xf32, #tpu.memory_space<hbm>> -> memref<64000xf32, #tpu.memory_space<hbm>>
      %dma_wait3A_20 = tpu.memref_slice %arg3[%add3A_6] : memref<16384000xf32, #tpu.memory_space<hbm>> -> memref<64000xf32, #tpu.memory_space<hbm>>
      tpu.wait_dma2 semaphore(%run_scoped3A : memref<!tpu.dma_semaphore, #tpu.memory_space<semaphore_mem>>) src(%arg4 : memref<64000xf32, #tpu.memory_space<vmem>>) dst(%dma_wait3A_20 : memref<64000xf32, #tpu.memory_space<hbm>>)
      tpu.yield
    }) : () -> ()
    %add3A_7 = arith.constant 128000 : i32
    %add3A_8 = arith.addi %mul3A_2, %add3A_7 : i32
    "tpu.region"() ({
      %run_scoped3A = tpu.sem_alloc : memref<!tpu.dma_semaphore, #tpu.memory_space<semaphore_mem>>
      %dma_start3A = tpu.memref_slice %arg2[%add3A_8] : memref<16384000xf32, #tpu.memory_space<hbm>> -> memref<64000xf32, #tpu.memory_space<hbm>>
      %dma_start3A_19 = tpu.memref_slice %arg2[%add3A_8] : memref<16384000xf32, #tpu.memory_space<hbm>> -> memref<64000xf32, #tpu.memory_space<hbm>>
      tpu.enqueue_dma source(%dma_start3A_19 : memref<64000xf32, #tpu.memory_space<hbm>>) target(%arg4 : memref<64000xf32, #tpu.memory_space<vmem>>) target_semaphore(%run_scoped3A : memref<!tpu.dma_semaphore, #tpu.memory_space<semaphore_mem>>)
      %dma_wait3A = tpu.memref_slice %arg2[%add3A_8] : memref<16384000xf32, #tpu.memory_space<hbm>> -> memref<64000xf32, #tpu.memory_space<hbm>>
      %dma_wait3A_20 = tpu.memref_slice %arg2[%add3A_8] : memref<16384000xf32, #tpu.memory_space<hbm>> -> memref<64000xf32, #tpu.memory_space<hbm>>
      tpu.wait_dma2 semaphore(%run_scoped3A : memref<!tpu.dma_semaphore, #tpu.memory_space<semaphore_mem>>) src(%dma_wait3A_20 : memref<64000xf32, #tpu.memory_space<hbm>>) dst(%arg4 : memref<64000xf32, #tpu.memory_space<vmem>>)
      tpu.yield
    }) : () -> ()
    "tpu.region"() ({
      %run_scoped3A = tpu.sem_alloc : memref<!tpu.dma_semaphore, #tpu.memory_space<semaphore_mem>>
      %dma_start3A = tpu.memref_slice %arg3[%add3A_8] : memref<16384000xf32, #tpu.memory_space<hbm>> -> memref<64000xf32, #tpu.memory_space<hbm>>
      %dma_start3A_19 = tpu.memref_slice %arg3[%add3A_8] : memref<16384000xf32, #tpu.memory_space<hbm>> -> memref<64000xf32, #tpu.memory_space<hbm>>
      tpu.enqueue_dma source(%arg4 : memref<64000xf32, #tpu.memory_space<vmem>>) target(%dma_start3A_19 : memref<64000xf32, #tpu.memory_space<hbm>>) target_semaphore(%run_scoped3A : memref<!tpu.dma_semaphore, #tpu.memory_space<semaphore_mem>>)
      %dma_wait3A = tpu.memref_slice %arg3[%add3A_8] : memref<16384000xf32, #tpu.memory_space<hbm>> -> memref<64000xf32, #tpu.memory_space<hbm>>
      %dma_wait3A_20 = tpu.memref_slice %arg3[%add3A_8] : memref<16384000xf32, #tpu.memory_space<hbm>> -> memref<64000xf32, #tpu.memory_space<hbm>>
      tpu.wait_dma2 semaphore(%run_scoped3A : memref<!tpu.dma_semaphore, #tpu.memory_space<semaphore_mem>>) src(%arg4 : memref<64000xf32, #tpu.memory_space<vmem>>) dst(%dma_wait3A_20 : memref<64000xf32, #tpu.memory_space<hbm>>)
      tpu.yield
    }) : () -> ()
    %add3A_9 = arith.constant 192000 : i32
    %add3A_10 = arith.addi %mul3A_2, %add3A_9 : i32
    "tpu.region"() ({
      %run_scoped3A = tpu.sem_alloc : memref<!tpu.dma_semaphore, #tpu.memory_space<semaphore_mem>>
      %dma_start3A = tpu.memref_slice %arg2[%add3A_10] : memref<16384000xf32, #tpu.memory_space<hbm>> -> memref<64000xf32, #tpu.memory_space<hbm>>
      %dma_start3A_19 = tpu.memref_slice %arg2[%add3A_10] : memref<16384000xf32, #tpu.memory_space<hbm>> -> memref<64000xf32, #tpu.memory_space<hbm>>
      tpu.enqueue_dma source(%dma_start3A_19 : memref<64000xf32, #tpu.memory_space<hbm>>) target(%arg4 : memref<64000xf32, #tpu.memory_space<vmem>>) target_semaphore(%run_scoped3A : memref<!tpu.dma_semaphore, #tpu.memory_space<semaphore_mem>>)
      %dma_wait3A = tpu.memref_slice %arg2[%add3A_10] : memref<16384000xf32, #tpu.memory_space<hbm>> -> memref<64000xf32, #tpu.memory_space<hbm>>
      %dma_wait3A_20 = tpu.memref_slice %arg2[%add3A_10] : memref<16384000xf32, #tpu.memory_space<hbm>> -> memref<64000xf32, #tpu.memory_space<hbm>>
      tpu.wait_dma2 semaphore(%run_scoped3A : memref<!tpu.dma_semaphore, #tpu.memory_space<semaphore_mem>>) src(%dma_wait3A_20 : memref<64000xf32, #tpu.memory_space<hbm>>) dst(%arg4 : memref<64000xf32, #tpu.memory_space<vmem>>)
      tpu.yield
    }) : () -> ()
    "tpu.region"() ({
      %run_scoped3A = tpu.sem_alloc : memref<!tpu.dma_semaphore, #tpu.memory_space<semaphore_mem>>
      %dma_start3A = tpu.memref_slice %arg3[%add3A_10] : memref<16384000xf32, #tpu.memory_space<hbm>> -> memref<64000xf32, #tpu.memory_space<hbm>>
      %dma_start3A_19 = tpu.memref_slice %arg3[%add3A_10] : memref<16384000xf32, #tpu.memory_space<hbm>> -> memref<64000xf32, #tpu.memory_space<hbm>>
      tpu.enqueue_dma source(%arg4 : memref<64000xf32, #tpu.memory_space<vmem>>) target(%dma_start3A_19 : memref<64000xf32, #tpu.memory_space<hbm>>) target_semaphore(%run_scoped3A : memref<!tpu.dma_semaphore, #tpu.memory_space<semaphore_mem>>)
      %dma_wait3A = tpu.memref_slice %arg3[%add3A_10] : memref<16384000xf32, #tpu.memory_space<hbm>> -> memref<64000xf32, #tpu.memory_space<hbm>>
      %dma_wait3A_20 = tpu.memref_slice %arg3[%add3A_10] : memref<16384000xf32, #tpu.memory_space<hbm>> -> memref<64000xf32, #tpu.memory_space<hbm>>
      tpu.wait_dma2 semaphore(%run_scoped3A : memref<!tpu.dma_semaphore, #tpu.memory_space<semaphore_mem>>) src(%arg4 : memref<64000xf32, #tpu.memory_space<vmem>>) dst(%dma_wait3A_20 : memref<64000xf32, #tpu.memory_space<hbm>>)
      tpu.yield
    }) : () -> ()
    %add3A_11 = arith.constant 256000 : i32
    %add3A_12 = arith.addi %mul3A_2, %add3A_11 : i32
    "tpu.region"() ({
      %run_scoped3A = tpu.sem_alloc : memref<!tpu.dma_semaphore, #tpu.memory_space<semaphore_mem>>
      %dma_start3A = tpu.memref_slice %arg2[%add3A_12] : memref<16384000xf32, #tpu.memory_space<hbm>> -> memref<64000xf32, #tpu.memory_space<hbm>>
      %dma_start3A_19 = tpu.memref_slice %arg2[%add3A_12] : memref<16384000xf32, #tpu.memory_space<hbm>> -> memref<64000xf32, #tpu.memory_space<hbm>>
      tpu.enqueue_dma source(%dma_start3A_19 : memref<64000xf32, #tpu.memory_space<hbm>>) target(%arg4 : memref<64000xf32, #tpu.memory_space<vmem>>) target_semaphore(%run_scoped3A : memref<!tpu.dma_semaphore, #tpu.memory_space<semaphore_mem>>)
      %dma_wait3A = tpu.memref_slice %arg2[%add3A_12] : memref<16384000xf32, #tpu.memory_space<hbm>> -> memref<64000xf32, #tpu.memory_space<hbm>>
      %dma_wait3A_20 = tpu.memref_slice %arg2[%add3A_12] : memref<16384000xf32, #tpu.memory_space<hbm>> -> memref<64000xf32, #tpu.memory_space<hbm>>
      tpu.wait_dma2 semaphore(%run_scoped3A : memref<!tpu.dma_semaphore, #tpu.memory_space<semaphore_mem>>) src(%dma_wait3A_20 : memref<64000xf32, #tpu.memory_space<hbm>>) dst(%arg4 : memref<64000xf32, #tpu.memory_space<vmem>>)
      tpu.yield
    }) : () -> ()
    "tpu.region"() ({
      %run_scoped3A = tpu.sem_alloc : memref<!tpu.dma_semaphore, #tpu.memory_space<semaphore_mem>>
      %dma_start3A = tpu.memref_slice %arg3[%add3A_12] : memref<16384000xf32, #tpu.memory_space<hbm>> -> memref<64000xf32, #tpu.memory_space<hbm>>
      %dma_start3A_19 = tpu.memref_slice %arg3[%add3A_12] : memref<16384000xf32, #tpu.memory_space<hbm>> -> memref<64000xf32, #tpu.memory_space<hbm>>
      tpu.enqueue_dma source(%arg4 : memref<64000xf32, #tpu.memory_space<vmem>>) target(%dma_start3A_19 : memref<64000xf32, #tpu.memory_space<hbm>>) target_semaphore(%run_scoped3A : memref<!tpu.dma_semaphore, #tpu.memory_space<semaphore_mem>>)
      %dma_wait3A = tpu.memref_slice %arg3[%add3A_12] : memref<16384000xf32, #tpu.memory_space<hbm>> -> memref<64000xf32, #tpu.memory_space<hbm>>
      %dma_wait3A_20 = tpu.memref_slice %arg3[%add3A_12] : memref<16384000xf32, #tpu.memory_space<hbm>> -> memref<64000xf32, #tpu.memory_space<hbm>>
      tpu.wait_dma2 semaphore(%run_scoped3A : memref<!tpu.dma_semaphore, #tpu.memory_space<semaphore_mem>>) src(%arg4 : memref<64000xf32, #tpu.memory_space<vmem>>) dst(%dma_wait3A_20 : memref<64000xf32, #tpu.memory_space<hbm>>)
      tpu.yield
    }) : () -> ()
    %add3A_13 = arith.constant 320000 : i32
    %add3A_14 = arith.addi %mul3A_2, %add3A_13 : i32
    "tpu.region"() ({
      %run_scoped3A = tpu.sem_alloc : memref<!tpu.dma_semaphore, #tpu.memory_space<semaphore_mem>>
      %dma_start3A = tpu.memref_slice %arg2[%add3A_14] : memref<16384000xf32, #tpu.memory_space<hbm>> -> memref<64000xf32, #tpu.memory_space<hbm>>
      %dma_start3A_19 = tpu.memref_slice %arg2[%add3A_14] : memref<16384000xf32, #tpu.memory_space<hbm>> -> memref<64000xf32, #tpu.memory_space<hbm>>
      tpu.enqueue_dma source(%dma_start3A_19 : memref<64000xf32, #tpu.memory_space<hbm>>) target(%arg4 : memref<64000xf32, #tpu.memory_space<vmem>>) target_semaphore(%run_scoped3A : memref<!tpu.dma_semaphore, #tpu.memory_space<semaphore_mem>>)
      %dma_wait3A = tpu.memref_slice %arg2[%add3A_14] : memref<16384000xf32, #tpu.memory_space<hbm>> -> memref<64000xf32, #tpu.memory_space<hbm>>
      %dma_wait3A_20 = tpu.memref_slice %arg2[%add3A_14] : memref<16384000xf32, #tpu.memory_space<hbm>> -> memref<64000xf32, #tpu.memory_space<hbm>>
      tpu.wait_dma2 semaphore(%run_scoped3A : memref<!tpu.dma_semaphore, #tpu.memory_space<semaphore_mem>>) src(%dma_wait3A_20 : memref<64000xf32, #tpu.memory_space<hbm>>) dst(%arg4 : memref<64000xf32, #tpu.memory_space<vmem>>)
      tpu.yield
    }) : () -> ()
    "tpu.region"() ({
      %run_scoped3A = tpu.sem_alloc : memref<!tpu.dma_semaphore, #tpu.memory_space<semaphore_mem>>
      %dma_start3A = tpu.memref_slice %arg3[%add3A_14] : memref<16384000xf32, #tpu.memory_space<hbm>> -> memref<64000xf32, #tpu.memory_space<hbm>>
      %dma_start3A_19 = tpu.memref_slice %arg3[%add3A_14] : memref<16384000xf32, #tpu.memory_space<hbm>> -> memref<64000xf32, #tpu.memory_space<hbm>>
      tpu.enqueue_dma source(%arg4 : memref<64000xf32, #tpu.memory_space<vmem>>) target(%dma_start3A_19 : memref<64000xf32, #tpu.memory_space<hbm>>) target_semaphore(%run_scoped3A : memref<!tpu.dma_semaphore, #tpu.memory_space<semaphore_mem>>)
      %dma_wait3A = tpu.memref_slice %arg3[%add3A_14] : memref<16384000xf32, #tpu.memory_space<hbm>> -> memref<64000xf32, #tpu.memory_space<hbm>>
      %dma_wait3A_20 = tpu.memref_slice %arg3[%add3A_14] : memref<16384000xf32, #tpu.memory_space<hbm>> -> memref<64000xf32, #tpu.memory_space<hbm>>
      tpu.wait_dma2 semaphore(%run_scoped3A : memref<!tpu.dma_semaphore, #tpu.memory_space<semaphore_mem>>) src(%arg4 : memref<64000xf32, #tpu.memory_space<vmem>>) dst(%dma_wait3A_20 : memref<64000xf32, #tpu.memory_space<hbm>>)
      tpu.yield
    }) : () -> ()
    %add3A_15 = arith.constant 384000 : i32
    %add3A_16 = arith.addi %mul3A_2, %add3A_15 : i32
    "tpu.region"() ({
      %run_scoped3A = tpu.sem_alloc : memref<!tpu.dma_semaphore, #tpu.memory_space<semaphore_mem>>
      %dma_start3A = tpu.memref_slice %arg2[%add3A_16] : memref<16384000xf32, #tpu.memory_space<hbm>> -> memref<64000xf32, #tpu.memory_space<hbm>>
      %dma_start3A_19 = tpu.memref_slice %arg2[%add3A_16] : memref<16384000xf32, #tpu.memory_space<hbm>> -> memref<64000xf32, #tpu.memory_space<hbm>>
      tpu.enqueue_dma source(%dma_start3A_19 : memref<64000xf32, #tpu.memory_space<hbm>>) target(%arg4 : memref<64000xf32, #tpu.memory_space<vmem>>) target_semaphore(%run_scoped3A : memref<!tpu.dma_semaphore, #tpu.memory_space<semaphore_mem>>)
      %dma_wait3A = tpu.memref_slice %arg2[%add3A_16] : memref<16384000xf32, #tpu.memory_space<hbm>> -> memref<64000xf32, #tpu.memory_space<hbm>>
      %dma_wait3A_20 = tpu.memref_slice %arg2[%add3A_16] : memref<16384000xf32, #tpu.memory_space<hbm>> -> memref<64000xf32, #tpu.memory_space<hbm>>
      tpu.wait_dma2 semaphore(%run_scoped3A : memref<!tpu.dma_semaphore, #tpu.memory_space<semaphore_mem>>) src(%dma_wait3A_20 : memref<64000xf32, #tpu.memory_space<hbm>>) dst(%arg4 : memref<64000xf32, #tpu.memory_space<vmem>>)
      tpu.yield
    }) : () -> ()
    "tpu.region"() ({
      %run_scoped3A = tpu.sem_alloc : memref<!tpu.dma_semaphore, #tpu.memory_space<semaphore_mem>>
      %dma_start3A = tpu.memref_slice %arg3[%add3A_16] : memref<16384000xf32, #tpu.memory_space<hbm>> -> memref<64000xf32, #tpu.memory_space<hbm>>
      %dma_start3A_19 = tpu.memref_slice %arg3[%add3A_16] : memref<16384000xf32, #tpu.memory_space<hbm>> -> memref<64000xf32, #tpu.memory_space<hbm>>
      tpu.enqueue_dma source(%arg4 : memref<64000xf32, #tpu.memory_space<vmem>>) target(%dma_start3A_19 : memref<64000xf32, #tpu.memory_space<hbm>>) target_semaphore(%run_scoped3A : memref<!tpu.dma_semaphore, #tpu.memory_space<semaphore_mem>>)
      %dma_wait3A = tpu.memref_slice %arg3[%add3A_16] : memref<16384000xf32, #tpu.memory_space<hbm>> -> memref<64000xf32, #tpu.memory_space<hbm>>
      %dma_wait3A_20 = tpu.memref_slice %arg3[%add3A_16] : memref<16384000xf32, #tpu.memory_space<hbm>> -> memref<64000xf32, #tpu.memory_space<hbm>>
      tpu.wait_dma2 semaphore(%run_scoped3A : memref<!tpu.dma_semaphore, #tpu.memory_space<semaphore_mem>>) src(%arg4 : memref<64000xf32, #tpu.memory_space<vmem>>) dst(%dma_wait3A_20 : memref<64000xf32, #tpu.memory_space<hbm>>)
      tpu.yield
    }) : () -> ()
    %add3A_17 = arith.constant 448000 : i32
    %add3A_18 = arith.addi %mul3A_2, %add3A_17 : i32
    "tpu.region"() ({
      %run_scoped3A = tpu.sem_alloc : memref<!tpu.dma_semaphore, #tpu.memory_space<semaphore_mem>>
      %dma_start3A = tpu.memref_slice %arg2[%add3A_18] : memref<16384000xf32, #tpu.memory_space<hbm>> -> memref<64000xf32, #tpu.memory_space<hbm>>
      %dma_start3A_19 = tpu.memref_slice %arg2[%add3A_18] : memref<16384000xf32, #tpu.memory_space<hbm>> -> memref<64000xf32, #tpu.memory_space<hbm>>
      tpu.enqueue_dma source(%dma_start3A_19 : memref<64000xf32, #tpu.memory_space<hbm>>) target(%arg4 : memref<64000xf32, #tpu.memory_space<vmem>>) target_semaphore(%run_scoped3A : memref<!tpu.dma_semaphore, #tpu.memory_space<semaphore_mem>>)
      %dma_wait3A = tpu.memref_slice %arg2[%add3A_18] : memref<16384000xf32, #tpu.memory_space<hbm>> -> memref<64000xf32, #tpu.memory_space<hbm>>
      %dma_wait3A_20 = tpu.memref_slice %arg2[%add3A_18] : memref<16384000xf32, #tpu.memory_space<hbm>> -> memref<64000xf32, #tpu.memory_space<hbm>>
      tpu.wait_dma2 semaphore(%run_scoped3A : memref<!tpu.dma_semaphore, #tpu.memory_space<semaphore_mem>>) src(%dma_wait3A_20 : memref<64000xf32, #tpu.memory_space<hbm>>) dst(%arg4 : memref<64000xf32, #tpu.memory_space<vmem>>)
      tpu.yield
    }) : () -> ()
    "tpu.region"() ({
      %run_scoped3A = tpu.sem_alloc : memref<!tpu.dma_semaphore, #tpu.memory_space<semaphore_mem>>
      %dma_start3A = tpu.memref_slice %arg3[%add3A_18] : memref<16384000xf32, #tpu.memory_space<hbm>> -> memref<64000xf32, #tpu.memory_space<hbm>>
      %dma_start3A_19 = tpu.memref_slice %arg3[%add3A_18] : memref<16384000xf32, #tpu.memory_space<hbm>> -> memref<64000xf32, #tpu.memory_space<hbm>>
      tpu.enqueue_dma source(%arg4 : memref<64000xf32, #tpu.memory_space<vmem>>) target(%dma_start3A_19 : memref<64000xf32, #tpu.memory_space<hbm>>) target_semaphore(%run_scoped3A : memref<!tpu.dma_semaphore, #tpu.memory_space<semaphore_mem>>)
      %dma_wait3A = tpu.memref_slice %arg3[%add3A_18] : memref<16384000xf32, #tpu.memory_space<hbm>> -> memref<64000xf32, #tpu.memory_space<hbm>>
      %dma_wait3A_20 = tpu.memref_slice %arg3[%add3A_18] : memref<16384000xf32, #tpu.memory_space<hbm>> -> memref<64000xf32, #tpu.memory_space<hbm>>
      tpu.wait_dma2 semaphore(%run_scoped3A : memref<!tpu.dma_semaphore, #tpu.memory_space<semaphore_mem>>) src(%arg4 : memref<64000xf32, #tpu.memory_space<vmem>>) dst(%dma_wait3A_20 : memref<64000xf32, #tpu.memory_space<hbm>>)
      tpu.yield
    }) : () -> ()
    return
  }
}

module attributes {stable_mosaic.version = 14 : i64} {
  func.func @_st_block_kernel(%arg0: i32, %arg1: memref<256x1000xf32, #tpu.memory_space<vmem>>, %arg2: memref<256x1000xf32, #tpu.memory_space<vmem>>, %arg3: memref<256x1000xf32, #tpu.memory_space<vmem>>) attributes {dimension_semantics = [#tpu.dimension_semantics<arbitrary>], iteration_bounds = array<i64: 64>, scalar_prefetch = 0 : i64, scratch_operands = 0 : i64, tpu.core_type = #tpu.core_type<tc>, window_params = [{transform_indices = @transform_0, window_bounds = array<i64: 256, 1000>}, {transform_indices = @transform_1, window_bounds = array<i64: 256, 1000>}, {transform_indices = @transform_2, window_bounds = array<i64: 256, 1000>}]} {
    %get3A = arith.constant 0 : index
    %get3A_0 = arith.constant 0 : index
    %get3A_1 = vector.load %arg1[%get3A, %get3A_0] : memref<256x1000xf32, #tpu.memory_space<vmem>>, vector<256x1000xf32>
    %exp3A = math.exp %get3A_1 : vector<256x1000xf32>
    %reduce_sum3A = arith.constant dense<0.000000e+00> : vector<256xf32>
    %reduce_sum3A_2 = vector.multi_reduction <add>, %exp3A, %reduce_sum3A [1] : vector<256x1000xf32> to vector<256xf32>
    %broadcast_in_dim3A = vector.shape_cast %reduce_sum3A_2 : vector<256xf32> to vector<256x1xf32>
    %div3A = arith.constant 1.000000e+00 : f32
    %div3A_3 = vector.broadcast %div3A : f32 to vector<256x1xf32>
    %div3A_4 = arith.divf %div3A_3, %broadcast_in_dim3A : vector<256x1xf32>
    %mul3A = vector.broadcast %div3A_4 : vector<256x1xf32> to vector<256x1000xf32>
    %mul3A_5 = arith.mulf %exp3A, %mul3A : vector<256x1000xf32>
    %swap3A = arith.constant 0 : index
    %swap3A_6 = arith.constant 0 : index
    %swap3A_7 = vector.load %arg3[%swap3A, %swap3A_6] : memref<256x1000xf32, #tpu.memory_space<vmem>>, vector<256x1000xf32>
    tpu.vector_store %arg3[%swap3A, %swap3A_6], %mul3A_5 {strides = array<i32>} : memref<256x1000xf32, #tpu.memory_space<vmem>>, vector<256x1000xf32>,
    %iota3A = tpu.iota {dimensions = array<i32: 0>} : vector<256x1000xi32>
    %mul3A_8 = arith.constant 256 : i32
    %mul3A_9 = arith.muli %arg0, %mul3A_8 : i32
    %add3A = vector.broadcast %mul3A_9 : i32 to vector<256x1000xi32>
    %add3A_10 = arith.addi %iota3A, %add3A : vector<256x1000xi32>
    %iota3A_11 = tpu.iota {dimensions = array<i32: 1>} : vector<256x1000xi32>
    %mul3A_12 = arith.constant 1000 : i32
    %mul3A_13 = vector.broadcast %mul3A_12 : i32 to vector<256x1000xi32>
    %mul3A_14 = arith.muli %add3A_10, %mul3A_13 : vector<256x1000xi32>
    %add3A_15 = arith.addi %mul3A_14, %iota3A_11 : vector<256x1000xi32>
    %broadcast_in_dim3A_16 = arith.constant 0 : i32
    %broadcast_in_dim3A_17 = vector.broadcast %broadcast_in_dim3A_16 : i32 to vector<256x1000xi32>
    %add3A_18 = arith.constant 0 : i32
    %add3A_19 = vector.broadcast %add3A_18 : i32 to vector<256x1000xi32>
    %add3A_20 = arith.addi %broadcast_in_dim3A_17, %add3A_19 : vector<256x1000xi32>
    %add3A_21 = arith.constant 42 : i32
    %add3A_22 = vector.broadcast %add3A_21 : i32 to vector<256x1000xi32>
    %add3A_23 = arith.addi %add3A_15, %add3A_22 : vector<256x1000xi32>
    %add3A_24 = arith.addi %add3A_20, %add3A_23 : vector<256x1000xi32>
    %shift_left3A = arith.constant 13 : i32
    %shift_left3A_25 = vector.broadcast %shift_left3A : i32 to vector<256x1000xi32>
    %shift_left3A_26 = arith.shli %add3A_23, %shift_left3A_25 : vector<256x1000xi32>
    %shift_right_logical3A = arith.constant 19 : i32
    %shift_right_logical3A_27 = vector.broadcast %shift_right_logical3A : i32 to vector<256x1000xi32>
    %shift_right_logical3A_28 = arith.shrui %add3A_23, %shift_right_logical3A_27 : vector<256x1000xi32>
    %or3A = arith.ori %shift_left3A_26, %shift_right_logical3A_28 : vector<256x1000xi32>
    %xor3A = arith.xori %add3A_24, %or3A : vector<256x1000xi32>
    %add3A_29 = arith.addi %add3A_24, %xor3A : vector<256x1000xi32>
    %shift_left3A_30 = arith.constant 15 : i32
    %shift_left3A_31 = vector.broadcast %shift_left3A_30 : i32 to vector<256x1000xi32>
    %shift_left3A_32 = arith.shli %xor3A, %shift_left3A_31 : vector<256x1000xi32>
    %shift_right_logical3A_33 = arith.constant 17 : i32
    %shift_right_logical3A_34 = vector.broadcast %shift_right_logical3A_33 : i32 to vector<256x1000xi32>
    %shift_right_logical3A_35 = arith.shrui %xor3A, %shift_right_logical3A_34 : vector<256x1000xi32>
    %or3A_36 = arith.ori %shift_left3A_32, %shift_right_logical3A_35 : vector<256x1000xi32>
    %xor3A_37 = arith.xori %add3A_29, %or3A_36 : vector<256x1000xi32>
    %add3A_38 = arith.addi %add3A_29, %xor3A_37 : vector<256x1000xi32>
    %shift_left3A_39 = arith.constant 26 : i32
    %shift_left3A_40 = vector.broadcast %shift_left3A_39 : i32 to vector<256x1000xi32>
    %shift_left3A_41 = arith.shli %xor3A_37, %shift_left3A_40 : vector<256x1000xi32>
    %shift_right_logical3A_42 = arith.constant 6 : i32
    %shift_right_logical3A_43 = vector.broadcast %shift_right_logical3A_42 : i32 to vector<256x1000xi32>
    %shift_right_logical3A_44 = arith.shrui %xor3A_37, %shift_right_logical3A_43 : vector<256x1000xi32>
    %or3A_45 = arith.ori %shift_left3A_41, %shift_right_logical3A_44 : vector<256x1000xi32>
    %xor3A_46 = arith.xori %add3A_38, %or3A_45 : vector<256x1000xi32>
    %add3A_47 = arith.addi %add3A_38, %xor3A_46 : vector<256x1000xi32>
    %shift_left3A_48 = arith.constant 6 : i32
    %shift_left3A_49 = vector.broadcast %shift_left3A_48 : i32 to vector<256x1000xi32>
    %shift_left3A_50 = arith.shli %xor3A_46, %shift_left3A_49 : vector<256x1000xi32>
    %shift_right_logical3A_51 = arith.constant 26 : i32
    %shift_right_logical3A_52 = vector.broadcast %shift_right_logical3A_51 : i32 to vector<256x1000xi32>
    %shift_right_logical3A_53 = arith.shrui %xor3A_46, %shift_right_logical3A_52 : vector<256x1000xi32>
    %or3A_54 = arith.ori %shift_left3A_50, %shift_right_logical3A_53 : vector<256x1000xi32>
    %xor3A_55 = arith.xori %add3A_47, %or3A_54 : vector<256x1000xi32>
    %add3A_56 = arith.constant 42 : i32
    %add3A_57 = vector.broadcast %add3A_56 : i32 to vector<256x1000xi32>
    %add3A_58 = arith.addi %add3A_47, %add3A_57 : vector<256x1000xi32>
    %add3A_59 = arith.constant 466689009 : i32
    %add3A_60 = vector.broadcast %add3A_59 : i32 to vector<256x1000xi32>
    %add3A_61 = arith.addi %xor3A_55, %add3A_60 : vector<256x1000xi32>
    %add3A_62 = arith.addi %add3A_58, %add3A_61 : vector<256x1000xi32>
    %shift_left3A_63 = arith.constant 17 : i32
    %shift_left3A_64 = vector.broadcast %shift_left3A_63 : i32 to vector<256x1000xi32>
    %shift_left3A_65 = arith.shli %add3A_61, %shift_left3A_64 : vector<256x1000xi32>
    %shift_right_logical3A_66 = arith.constant 15 : i32
    %shift_right_logical3A_67 = vector.broadcast %shift_right_logical3A_66 : i32 to vector<256x1000xi32>
    %shift_right_logical3A_68 = arith.shrui %add3A_61, %shift_right_logical3A_67 : vector<256x1000xi32>
    %or3A_69 = arith.ori %shift_left3A_65, %shift_right_logical3A_68 : vector<256x1000xi32>
    %xor3A_70 = arith.xori %add3A_62, %or3A_69 : vector<256x1000xi32>
    %add3A_71 = arith.addi %add3A_62, %xor3A_70 : vector<256x1000xi32>
    %shift_left3A_72 = arith.constant 29 : i32
    %shift_left3A_73 = vector.broadcast %shift_left3A_72 : i32 to vector<256x1000xi32>
    %shift_left3A_74 = arith.shli %xor3A_70, %shift_left3A_73 : vector<256x1000xi32>
    %shift_right_logical3A_75 = arith.constant 3 : i32
    %shift_right_logical3A_76 = vector.broadcast %shift_right_logical3A_75 : i32 to vector<256x1000xi32>
    %shift_right_logical3A_77 = arith.shrui %xor3A_70, %shift_right_logical3A_76 : vector<256x1000xi32>
    %or3A_78 = arith.ori %shift_left3A_74, %shift_right_logical3A_77 : vector<256x1000xi32>
    %xor3A_79 = arith.xori %add3A_71, %or3A_78 : vector<256x1000xi32>
    %add3A_80 = arith.addi %add3A_71, %xor3A_79 : vector<256x1000xi32>
    %shift_left3A_81 = arith.constant 16 : i32
    %shift_left3A_82 = vector.broadcast %shift_left3A_81 : i32 to vector<256x1000xi32>
    %shift_left3A_83 = arith.shli %xor3A_79, %shift_left3A_82 : vector<256x1000xi32>
    %shift_right_logical3A_84 = arith.constant 16 : i32
    %shift_right_logical3A_85 = vector.broadcast %shift_right_logical3A_84 : i32 to vector<256x1000xi32>
    %shift_right_logical3A_86 = arith.shrui %xor3A_79, %shift_right_logical3A_85 : vector<256x1000xi32>
    %or3A_87 = arith.ori %shift_left3A_83, %shift_right_logical3A_86 : vector<256x1000xi32>
    %xor3A_88 = arith.xori %add3A_80, %or3A_87 : vector<256x1000xi32>
    %add3A_89 = arith.addi %add3A_80, %xor3A_88 : vector<256x1000xi32>
    %shift_left3A_90 = arith.constant 24 : i32
    %shift_left3A_91 = vector.broadcast %shift_left3A_90 : i32 to vector<256x1000xi32>
    %shift_left3A_92 = arith.shli %xor3A_88, %shift_left3A_91 : vector<256x1000xi32>
    %shift_right_logical3A_93 = arith.constant 8 : i32
    %shift_right_logical3A_94 = vector.broadcast %shift_right_logical3A_93 : i32 to vector<256x1000xi32>
    %shift_right_logical3A_95 = arith.shrui %xor3A_88, %shift_right_logical3A_94 : vector<256x1000xi32>
    %or3A_96 = arith.ori %shift_left3A_92, %shift_right_logical3A_95 : vector<256x1000xi32>
    %xor3A_97 = arith.xori %add3A_89, %or3A_96 : vector<256x1000xi32>
    %add3A_98 = arith.constant 466689008 : i32
    %add3A_99 = vector.broadcast %add3A_98 : i32 to vector<256x1000xi32>
    %add3A_100 = arith.addi %add3A_89, %add3A_99 : vector<256x1000xi32>
    %add3A_101 = arith.constant 2 : i32
    %add3A_102 = vector.broadcast %add3A_101 : i32 to vector<256x1000xi32>
    %add3A_103 = arith.addi %xor3A_97, %add3A_102 : vector<256x1000xi32>
    %add3A_104 = arith.addi %add3A_100, %add3A_103 : vector<256x1000xi32>
    %shift_left3A_105 = arith.constant 13 : i32
    %shift_left3A_106 = vector.broadcast %shift_left3A_105 : i32 to vector<256x1000xi32>
    %shift_left3A_107 = arith.shli %add3A_103, %shift_left3A_106 : vector<256x1000xi32>
    %shift_right_logical3A_108 = arith.constant 19 : i32
    %shift_right_logical3A_109 = vector.broadcast %shift_right_logical3A_108 : i32 to vector<256x1000xi32>
    %shift_right_logical3A_110 = arith.shrui %add3A_103, %shift_right_logical3A_109 : vector<256x1000xi32>
    %or3A_111 = arith.ori %shift_left3A_107, %shift_right_logical3A_110 : vector<256x1000xi32>
    %xor3A_112 = arith.xori %add3A_104, %or3A_111 : vector<256x1000xi32>
    %add3A_113 = arith.addi %add3A_104, %xor3A_112 : vector<256x1000xi32>
    %shift_left3A_114 = arith.constant 15 : i32
    %shift_left3A_115 = vector.broadcast %shift_left3A_114 : i32 to vector<256x1000xi32>
    %shift_left3A_116 = arith.shli %xor3A_112, %shift_left3A_115 : vector<256x1000xi32>
    %shift_right_logical3A_117 = arith.constant 17 : i32
    %shift_right_logical3A_118 = vector.broadcast %shift_right_logical3A_117 : i32 to vector<256x1000xi32>
    %shift_right_logical3A_119 = arith.shrui %xor3A_112, %shift_right_logical3A_118 : vector<256x1000xi32>
    %or3A_120 = arith.ori %shift_left3A_116, %shift_right_logical3A_119 : vector<256x1000xi32>
    %xor3A_121 = arith.xori %add3A_113, %or3A_120 : vector<256x1000xi32>
    %add3A_122 = arith.addi %add3A_113, %xor3A_121 : vector<256x1000xi32>
    %shift_left3A_123 = arith.constant 26 : i32
    %shift_left3A_124 = vector.broadcast %shift_left3A_123 : i32 to vector<256x1000xi32>
    %shift_left3A_125 = arith.shli %xor3A_121, %shift_left3A_124 : vector<256x1000xi32>
    %shift_right_logical3A_126 = arith.constant 6 : i32
    %shift_right_logical3A_127 = vector.broadcast %shift_right_logical3A_126 : i32 to vector<256x1000xi32>
    %shift_right_logical3A_128 = arith.shrui %xor3A_121, %shift_right_logical3A_127 : vector<256x1000xi32>
    %or3A_129 = arith.ori %shift_left3A_125, %shift_right_logical3A_128 : vector<256x1000xi32>
    %xor3A_130 = arith.xori %add3A_122, %or3A_129 : vector<256x1000xi32>
    %add3A_131 = arith.addi %add3A_122, %xor3A_130 : vector<256x1000xi32>
    %shift_left3A_132 = arith.constant 6 : i32
    %shift_left3A_133 = vector.broadcast %shift_left3A_132 : i32 to vector<256x1000xi32>
    %shift_left3A_134 = arith.shli %xor3A_130, %shift_left3A_133 : vector<256x1000xi32>
    %shift_right_logical3A_135 = arith.constant 26 : i32
    %shift_right_logical3A_136 = vector.broadcast %shift_right_logical3A_135 : i32 to vector<256x1000xi32>
    %shift_right_logical3A_137 = arith.shrui %xor3A_130, %shift_right_logical3A_136 : vector<256x1000xi32>
    %or3A_138 = arith.ori %shift_left3A_134, %shift_right_logical3A_137 : vector<256x1000xi32>
    %xor3A_139 = arith.xori %add3A_131, %or3A_138 : vector<256x1000xi32>
    %add3A_140 = arith.constant 0 : i32
    %add3A_141 = vector.broadcast %add3A_140 : i32 to vector<256x1000xi32>
    %add3A_142 = arith.addi %add3A_131, %add3A_141 : vector<256x1000xi32>
    %add3A_143 = arith.constant 45 : i32
    %add3A_144 = vector.broadcast %add3A_143 : i32 to vector<256x1000xi32>
    %add3A_145 = arith.addi %xor3A_139, %add3A_144 : vector<256x1000xi32>
    %add3A_146 = arith.addi %add3A_142, %add3A_145 : vector<256x1000xi32>
    %shift_left3A_147 = arith.constant 17 : i32
    %shift_left3A_148 = vector.broadcast %shift_left3A_147 : i32 to vector<256x1000xi32>
    %shift_left3A_149 = arith.shli %add3A_145, %shift_left3A_148 : vector<256x1000xi32>
    %shift_right_logical3A_150 = arith.constant 15 : i32
    %shift_right_logical3A_151 = vector.broadcast %shift_right_logical3A_150 : i32 to vector<256x1000xi32>
    %shift_right_logical3A_152 = arith.shrui %add3A_145, %shift_right_logical3A_151 : vector<256x1000xi32>
    %or3A_153 = arith.ori %shift_left3A_149, %shift_right_logical3A_152 : vector<256x1000xi32>
    %xor3A_154 = arith.xori %add3A_146, %or3A_153 : vector<256x1000xi32>
    %add3A_155 = arith.addi %add3A_146, %xor3A_154 : vector<256x1000xi32>
    %shift_left3A_156 = arith.constant 29 : i32
    %shift_left3A_157 = vector.broadcast %shift_left3A_156 : i32 to vector<256x1000xi32>
    %shift_left3A_158 = arith.shli %xor3A_154, %shift_left3A_157 : vector<256x1000xi32>
    %shift_right_logical3A_159 = arith.constant 3 : i32
    %shift_right_logical3A_160 = vector.broadcast %shift_right_logical3A_159 : i32 to vector<256x1000xi32>
    %shift_right_logical3A_161 = arith.shrui %xor3A_154, %shift_right_logical3A_160 : vector<256x1000xi32>
    %or3A_162 = arith.ori %shift_left3A_158, %shift_right_logical3A_161 : vector<256x1000xi32>
    %xor3A_163 = arith.xori %add3A_155, %or3A_162 : vector<256x1000xi32>
    %add3A_164 = arith.addi %add3A_155, %xor3A_163 : vector<256x1000xi32>
    %shift_left3A_165 = arith.constant 16 : i32
    %shift_left3A_166 = vector.broadcast %shift_left3A_165 : i32 to vector<256x1000xi32>
    %shift_left3A_167 = arith.shli %xor3A_163, %shift_left3A_166 : vector<256x1000xi32>
    %shift_right_logical3A_168 = arith.constant 16 : i32
    %shift_right_logical3A_169 = vector.broadcast %shift_right_logical3A_168 : i32 to vector<256x1000xi32>
    %shift_right_logical3A_170 = arith.shrui %xor3A_163, %shift_right_logical3A_169 : vector<256x1000xi32>
    %or3A_171 = arith.ori %shift_left3A_167, %shift_right_logical3A_170 : vector<256x1000xi32>
    %xor3A_172 = arith.xori %add3A_164, %or3A_171 : vector<256x1000xi32>
    %add3A_173 = arith.addi %add3A_164, %xor3A_172 : vector<256x1000xi32>
    %shift_left3A_174 = arith.constant 24 : i32
    %shift_left3A_175 = vector.broadcast %shift_left3A_174 : i32 to vector<256x1000xi32>
    %shift_left3A_176 = arith.shli %xor3A_172, %shift_left3A_175 : vector<256x1000xi32>
    %shift_right_logical3A_177 = arith.constant 8 : i32
    %shift_right_logical3A_178 = vector.broadcast %shift_right_logical3A_177 : i32 to vector<256x1000xi32>
    %shift_right_logical3A_179 = arith.shrui %xor3A_172, %shift_right_logical3A_178 : vector<256x1000xi32>
    %or3A_180 = arith.ori %shift_left3A_176, %shift_right_logical3A_179 : vector<256x1000xi32>
    %xor3A_181 = arith.xori %add3A_173, %or3A_180 : vector<256x1000xi32>
    %add3A_182 = arith.constant 42 : i32
    %add3A_183 = vector.broadcast %add3A_182 : i32 to vector<256x1000xi32>
    %add3A_184 = arith.addi %add3A_173, %add3A_183 : vector<256x1000xi32>
    %add3A_185 = arith.constant 466689012 : i32
    %add3A_186 = vector.broadcast %add3A_185 : i32 to vector<256x1000xi32>
    %add3A_187 = arith.addi %xor3A_181, %add3A_186 : vector<256x1000xi32>
    %add3A_188 = arith.addi %add3A_184, %add3A_187 : vector<256x1000xi32>
    %shift_left3A_189 = arith.constant 13 : i32
    %shift_left3A_190 = vector.broadcast %shift_left3A_189 : i32 to vector<256x1000xi32>
    %shift_left3A_191 = arith.shli %add3A_187, %shift_left3A_190 : vector<256x1000xi32>
    %shift_right_logical3A_192 = arith.constant 19 : i32
    %shift_right_logical3A_193 = vector.broadcast %shift_right_logical3A_192 : i32 to vector<256x1000xi32>
    %shift_right_logical3A_194 = arith.shrui %add3A_187, %shift_right_logical3A_193 : vector<256x1000xi32>
    %or3A_195 = arith.ori %shift_left3A_191, %shift_right_logical3A_194 : vector<256x1000xi32>
    %xor3A_196 = arith.xori %add3A_188, %or3A_195 : vector<256x1000xi32>
    %add3A_197 = arith.addi %add3A_188, %xor3A_196 : vector<256x1000xi32>
    %shift_left3A_198 = arith.constant 15 : i32
    %shift_left3A_199 = vector.broadcast %shift_left3A_198 : i32 to vector<256x1000xi32>
    %shift_left3A_200 = arith.shli %xor3A_196, %shift_left3A_199 : vector<256x1000xi32>
    %shift_right_logical3A_201 = arith.constant 17 : i32
    %shift_right_logical3A_202 = vector.broadcast %shift_right_logical3A_201 : i32 to vector<256x1000xi32>
    %shift_right_logical3A_203 = arith.shrui %xor3A_196, %shift_right_logical3A_202 : vector<256x1000xi32>
    %or3A_204 = arith.ori %shift_left3A_200, %shift_right_logical3A_203 : vector<256x1000xi32>
    %xor3A_205 = arith.xori %add3A_197, %or3A_204 : vector<256x1000xi32>
    %add3A_206 = arith.addi %add3A_197, %xor3A_205 : vector<256x1000xi32>
    %shift_left3A_207 = arith.constant 26 : i32
    %shift_left3A_208 = vector.broadcast %shift_left3A_207 : i32 to vector<256x1000xi32>
    %shift_left3A_209 = arith.shli %xor3A_205, %shift_left3A_208 : vector<256x1000xi32>
    %shift_right_logical3A_210 = arith.constant 6 : i32
    %shift_right_logical3A_211 = vector.broadcast %shift_right_logical3A_210 : i32 to vector<256x1000xi32>
    %shift_right_logical3A_212 = arith.shrui %xor3A_205, %shift_right_logical3A_211 : vector<256x1000xi32>
    %or3A_213 = arith.ori %shift_left3A_209, %shift_right_logical3A_212 : vector<256x1000xi32>
    %xor3A_214 = arith.xori %add3A_206, %or3A_213 : vector<256x1000xi32>
    %add3A_215 = arith.addi %add3A_206, %xor3A_214 : vector<256x1000xi32>
    %shift_left3A_216 = arith.constant 6 : i32
    %shift_left3A_217 = vector.broadcast %shift_left3A_216 : i32 to vector<256x1000xi32>
    %shift_left3A_218 = arith.shli %xor3A_214, %shift_left3A_217 : vector<256x1000xi32>
    %shift_right_logical3A_219 = arith.constant 26 : i32
    %shift_right_logical3A_220 = vector.broadcast %shift_right_logical3A_219 : i32 to vector<256x1000xi32>
    %shift_right_logical3A_221 = arith.shrui %xor3A_214, %shift_right_logical3A_220 : vector<256x1000xi32>
    %or3A_222 = arith.ori %shift_left3A_218, %shift_right_logical3A_221 : vector<256x1000xi32>
    %xor3A_223 = arith.xori %add3A_215, %or3A_222 : vector<256x1000xi32>
    %add3A_224 = arith.constant 466689008 : i32
    %add3A_225 = vector.broadcast %add3A_224 : i32 to vector<256x1000xi32>
    %add3A_226 = arith.addi %add3A_215, %add3A_225 : vector<256x1000xi32>
    %add3A_227 = arith.constant 5 : i32
    %add3A_228 = vector.broadcast %add3A_227 : i32 to vector<256x1000xi32>
    %add3A_229 = arith.addi %xor3A_223, %add3A_228 : vector<256x1000xi32>
    %xor3A_230 = arith.xori %add3A_226, %add3A_229 : vector<256x1000xi32>
    %shift_right_logical3A_231 = arith.constant 9 : i32
    %shift_right_logical3A_232 = vector.broadcast %shift_right_logical3A_231 : i32 to vector<256x1000xi32>
    %shift_right_logical3A_233 = arith.shrui %xor3A_230, %shift_right_logical3A_232 : vector<256x1000xi32>
    %or3A_234 = arith.constant 1065353216 : i32
    %or3A_235 = vector.broadcast %or3A_234 : i32 to vector<256x1000xi32>
    %or3A_236 = arith.ori %shift_right_logical3A_233, %or3A_235 : vector<256x1000xi32>
    %bitcast_convert_type3A = tpu.bitcast %or3A_236 : vector<256x1000xi32> -> vector<256x1000xf32>
    %sub3A = arith.constant 1.000000e+00 : f32
    %sub3A_237 = vector.broadcast %sub3A : f32 to vector<256x1000xf32>
    %sub3A_238 = arith.subf %bitcast_convert_type3A, %sub3A_237 : vector<256x1000xf32>
    %sub3A_239 = arith.constant 1.000000e+00 : f32
    %sub3A_240 = arith.constant 1.17549435E-38 : f32
    %sub3A_241 = arith.subf %sub3A_239, %sub3A_240 : f32
    %mul3A_242 = vector.broadcast %sub3A_241 : f32 to vector<256x1000xf32>
    %mul3A_243 = arith.mulf %sub3A_238, %mul3A_242 : vector<256x1000xf32>
    %add3A_244 = arith.constant 1.17549435E-38 : f32
    %add3A_245 = vector.broadcast %add3A_244 : f32 to vector<256x1000xf32>
    %add3A_246 = arith.addf %mul3A_243, %add3A_245 : vector<256x1000xf32>
    %max3A = arith.constant 1.17549435E-38 : f32
    %max3A_247 = vector.broadcast %max3A : f32 to vector<256x1000xf32>
    %max3A_248 = arith.maximumf %max3A_247, %add3A_246 : vector<256x1000xf32>
    %log3A = math.log %max3A_248 : vector<256x1000xf32>
    %neg3A = arith.constant 0.000000e+00 : f32
    %neg3A_249 = vector.broadcast %neg3A : f32 to vector<256x1000xf32>
    %neg3A_250 = arith.subf %neg3A_249, %log3A : vector<256x1000xf32>
    %log3A_251 = math.log %neg3A_250 : vector<256x1000xf32>
    %neg3A_252 = arith.constant 0.000000e+00 : f32
    %neg3A_253 = vector.broadcast %neg3A_252 : f32 to vector<256x1000xf32>
    %neg3A_254 = arith.subf %neg3A_253, %log3A_251 : vector<256x1000xf32>
    %add3A_255 = arith.addf %get3A_1, %neg3A_254 : vector<256x1000xf32>
    %reduce_max3A = arith.constant dense<0xFF800000> : vector<256xf32>
    %reduce_max3A_256 = vector.multi_reduction <maximumf>, %add3A_255, %reduce_max3A [1] : vector<256x1000xf32> to vector<256xf32>
    %broadcast_in_dim3A_257 = vector.shape_cast %reduce_max3A_256 : vector<256xf32> to vector<256x1xf32>
    %eq3A = vector.broadcast %broadcast_in_dim3A_257 : vector<256x1xf32> to vector<256x1000xf32>
    %eq3A_258 = arith.cmpf oeq, %add3A_255, %eq3A : vector<256x1000xf32>
    %jit3A = arith.constant 1000 : i32
    %broadcast_in_dim3A_259 = vector.broadcast %jit3A : i32 to vector<256x1000xi32>
    %select_n3A = arith.select %eq3A_258, %iota3A_11, %broadcast_in_dim3A_259 : vector<256x1000xi1>, vector<256x1000xi32>
    %reduce_min3A = arith.constant dense<2147483647> : vector<256xi32>
    %reduce_min3A_260 = vector.multi_reduction <minsi>, %select_n3A, %reduce_min3A [1] : vector<256x1000xi32> to vector<256xi32>
    %broadcast_in_dim3A_261 = vector.shape_cast %reduce_min3A_260 : vector<256xi32> to vector<256x1xi32>
    %eq3A_262 = vector.broadcast %broadcast_in_dim3A_261 : vector<256x1xi32> to vector<256x1000xi32>
    %eq3A_263 = arith.cmpi eq, %select_n3A, %eq3A_262 : vector<256x1000xi32>
    %jit3A_264 = arith.constant 1.000000e+00 : f32
    %jit3A_265 = arith.constant 0.000000e+00 : f32
    %broadcast_in_dim3A_266 = vector.broadcast %jit3A_264 : f32 to vector<256x1000xf32>
    %broadcast_in_dim3A_267 = vector.broadcast %jit3A_265 : f32 to vector<256x1000xf32>
    %select_n3A_268 = arith.select %eq3A_263, %broadcast_in_dim3A_266, %broadcast_in_dim3A_267 : vector<256x1000xi1>, vector<256x1000xf32>
    %swap3A_269 = arith.constant 0 : index
    %swap3A_270 = arith.constant 0 : index
    %swap3A_271 = vector.load %arg2[%swap3A_269, %swap3A_270] : memref<256x1000xf32, #tpu.memory_space<vmem>>, vector<256x1000xf32>
    tpu.vector_store %arg2[%swap3A_269, %swap3A_270], %select_n3A_268 {strides = array<i32>} : memref<256x1000xf32, #tpu.memory_space<vmem>>, vector<256x1000xf32>,
    return
  }
  func.func @transform_0(%arg0: i32) -> (i32, i32) {
    %c0_i32 = arith.constant 0 : i32
    %c0_i32_0 = arith.constant 0 : i32
    return %arg0, %c0_i32 : i32, i32
  }
  func.func @transform_1(%arg0: i32) -> (i32, i32) {
    %c0_i32 = arith.constant 0 : i32
    %c0_i32_0 = arith.constant 0 : i32
    return %arg0, %c0_i32 : i32, i32
  }
  func.func @transform_2(%arg0: i32) -> (i32, i32) {
    %c0_i32 = arith.constant 0 : i32
    %c0_i32_0 = arith.constant 0 : i32
    return %arg0, %c0_i32 : i32, i32
  }
}

</mosaic_0001>

<sc_bundles>
// kernel: kernel.4.cloned.1.call-start
scs
__scs_entry_jumppad:
0x0: {  	(pc) =	sbr.rel $0x88, $3  }
0x1: {  	(tag) =	ssettag $0x0;
	lr =	simm.s32 $0x1  }
0x2: {  	[smem:$0x3FA0] =	sst lr;
	_ =	strace $0xD0000000  }
0x3: {  	_ = 	snop  }
0x4: {  	_ = 	snop  }
0x5: {  	_ = 	snop  }
0x6: {  	_ = 	snop  }
0x7: {  	_ = 	snop  }
__scs_overlays_trampoline_lowered:
0x8: {  	[smem:$0x3FAF] =	sst s0  }
0x9: {  	[smem:$0x3FB0] =	sst s1  }
0xa: {  	[smem:$0x3FB1] =	sst s2  }
0xb: {  	[smem:$0x3FB2] =	sst s3  }
0xc: {  	[smem:$0x3FB3] =	sst s4  }
0xd: {  	[smem:$0x3FB4] =	sst s5  }
0xe: {  	[smem:$0x3FB5] =	sst s6  }
0xf: {  	[smem:$0x3FB6] =	sst s7  }
0x10: {  	[smem:$0x3FB7] =	sst s8  }
0x11: {  	[smem:$0x3FB8] =	sst s9;
	s0 =	simm.s32 @!p0 $0x0  }
0x12: {  	s1 =	sld [smem:$0x3F9E];
	s0 =	simm.s32 @p0 $0x1  }
0x13: {  	[smem:$0x3FB9] =	sst s0;
	s0 =	simm.s32 @!p1 $0x0  }
0x14: {  	s2 =	sld [smem:$0x3F9D];
	s0 =	simm.s32 @p1 $0x1  }
0x15: {  	[smem:$0x3FBA] =	sst s0;
	s0 =	simm.s32 @!p2 $0x0  }
0x16: {  	s3 =	sld [smem:$0x3FDB];
	s0 =	simm.s32 @p2 $0x1  }
0x17: {  	s4 =	simm.s32 $0x1BF5;
	[smem:$0x3FBC] =	sst s0  }
0x18: {  	s0 =	sld [smem:$0x3F9F];
	_ =	swait.ge [sflag:s4], $0x0  }
0x19: {  	s7 =	sld [smem:$0x3FA0]  }
0x1a: {  	s8 =	sadd.s32 $0xFFFFE003, lr  }
0x1b: {  	s9 =	sadd.s32 $0xFFFFFEF7, lr;
	s5 =	simm.s32 $0xFFFFFFFF;
	p2 =	slt.u32 s8, $0xFFFFF086  }
0x1c: {  	p1 =	slt.u32 s9, $0xF7A;
	s5 =	simm.s32 @!p2 $0x0  }
0x1d: {  	s5 =	simm.s32 @p1 $0x1;
	p0 =	seq.s32 s7, s2  }
0x1e: {  	s7 =	smul.u32 @!p0 $0xF7A, s2;
	p2 =	seq.s32 @!p0 s5, $0x0  }
0x1f: {  	s9 =	smul.u32 $0xF7A, s1;
	s8 =	simm.s32 @!p0 $0x1BF5;
	p2 =	por !p2, p0  }
0x20: {  	[sflag:s8] =	ssyncset.s32 @!p0 $0xFFFFF086;
	s6 =	sadd.s32 @!p0 s3, s7;
	s7 =	simm.s32 @!p0 $0x108  }
0x21: {  	s3 =	sadd.s32 s3, s9;
	s6 =	sadd.s32 @!p0 $0x88, s6;
	s7 =	simm.s32 @p2 $0x1082  }
0x22: {  	[simem:s7], [sflag:s8] =	dma.local @!p0 [hbm:s6], $0xF7A  }
0x23: {  	s9 =	sor.u32 $0xD0000000, s2;
	s6 =	simm.s32 $0x108;
	_ =	swait.ge @!p0 [sflag:s8], $0x0  }
0x24: {  	s3 =	sadd.s32 $0x88, s3;
	s6 =	simm.s32 @!p1 $0x1082;
	[sflag:s4] =	ssyncset.s32 $0xFFFFF086  }
0x25: {  	[simem:s6], [sflag:s4] =	dma.local [hbm:s3], $0xF7A  }
0x26: {  	[smem:$0x3FA0] =	sst s1;
	(tag) =	ssettag s2;
	_ =	strace s9  }
0x27: {  	s1 =	sld [smem:$0x3FB0]  }
0x28: {  	s2 =	sld [smem:$0x3FB1]  }
0x29: {  	s4 =	sld [smem:$0x3FB3]  }
0x2a: {  	p0 =	seq.s32 s5, $0x0;
	s5 =	sld [smem:$0x3FB4]  }
0x2b: {  	s6 =	sld [smem:$0x3FB5]  }
0x2c: {  	s7 =	sld [smem:$0x3FB6]  }
0x2d: {  	s3 =	simm.s32 $0x108;
	s8 =	sld [smem:$0x3FB7]  }
0x2e: {  	s3 =	simm.s32 @!p0 $0x1082;
	s9 =	sld [smem:$0x3FB8]  }
0x2f: {  	lr =	sadd.s32 s0, s3;
	s0 =	sld [smem:$0x3FAF]  }
0x30: {  	s3 =	sld [smem:$0x3FB2]  }
0x31: {  	[smem:$0x3FBB] =	sst s10  }
0x32: {  	s10 =	sld [smem:$0x3FB9];
	_ =	sdelay $0x3  }
0x33: {  	p0 =	seq.s32 s10, $0x1;
	s10 =	sld [smem:$0x3FBB];
	_ =	sdelay $0x3  }
0x34: {  	[smem:$0x3FBB] =	sst s10  }
0x35: {  	s10 =	sld [smem:$0x3FBA];
	_ =	sdelay $0x3  }
0x36: {  	p1 =	seq.s32 s10, $0x1;
	s10 =	sld [smem:$0x3FBB];
	_ =	sdelay $0x3  }
0x37: {  	[smem:$0x3FBB] =	sst s10  }
0x38: {  	s10 =	sld [smem:$0x3FBC]  }
0x39: {  	_ = 	snop;
	(pc) =	sbr.ind lr, $3  }
0x3a: {  	_ = 	snop  }
0x3b: {  	_ = 	snop  }
0x3c: {  	p2 =	seq.s32 s10, $0x1;
	s10 =	sld [smem:$0x3FBB]  }
0x3d: {  	_ =	shalt  }
0x3e: {  	_ =	shalt  }
0x3f: {  	_ =	shalt  }
0x40: {  	_ =	shalt  }
0x41: {  	_ =	shalt  }
0x42: {  	_ =	shalt  }
0x43: {  	_ =	shalt  }
0x44: {  	_ =	shalt  }
0x45: {  	_ =	shalt  }
0x46: {  	_ =	shalt  }
0x47: {  	_ =	shalt  }
0x48: {  	_ =	shalt  }
0x49: {  	_ =	shalt  }
0x4a: {  	_ =	shalt  }
0x4b: {  	_ =	shalt  }
0x4c: {  	_ =	shalt  }
0x4d: {  	_ =	shalt  }
0x4e: {  	_ =	shalt  }
0x4f: {  	_ =	shalt  }
0x50: {  	_ =	shalt  }
0x51: {  	_ =	shalt  }
0x52: {  	_ =	shalt  }
0x53: {  	_ =	shalt  }
0x54: {  	_ =	shalt  }
0x55: {  	_ =	shalt  }
0x56: {  	_ =	shalt  }
0x57: {  	_ =	shalt  }
0x58: {  	_ =	shalt  }
0x59: {  	_ =	shalt  }
0x5a: {  	_ =	shalt  }
0x5b: {  	_ =	shalt  }
0x5c: {  	_ =	shalt  }
0x5d: {  	_ =	shalt  }
0x5e: {  	_ =	shalt  }
0x5f: {  	_ =	shalt  }
0x60: {  	_ =	shalt  }
0x61: {  	_ =	shalt  }
0x62: {  	_ =	shalt  }
0x63: {  	_ =	shalt  }
0x64: {  	_ =	shalt  }
0x65: {  	_ =	shalt  }
0x66: {  	_ =	shalt  }
0x67: {  	_ =	shalt  }
0x68: {  	_ =	shalt  }
0x69: {  	_ =	shalt  }
0x6a: {  	_ =	shalt  }
0x6b: {  	_ =	shalt  }
0x6c: {  	_ =	shalt  }
0x6d: {  	_ =	shalt  }
0x6e: {  	_ =	shalt  }
0x6f: {  	_ =	shalt  }
0x70: {  	_ =	shalt  }
0x71: {  	_ =	shalt  }
0x72: {  	_ =	shalt  }
0x73: {  	_ =	shalt  }
0x74: {  	_ =	shalt  }
0x75: {  	_ =	shalt  }
0x76: {  	_ =	shalt  }
0x77: {  	_ =	shalt  }
0x78: {  	_ =	shalt  }
0x79: {  	_ =	shalt  }
0x7a: {  	_ =	shalt  }
0x7b: {  	_ =	shalt  }
0x7c: {  	_ =	shalt  }
0x7d: {  	_ =	shalt  }
0x7e: {  	_ =	shalt  }
0x7f: {  	_ =	shalt  }
0x80: {  	_ =	shalt  }
0x81: {  	_ =	shalt  }
0x82: {  	_ =	shalt  }
0x83: {  	_ =	shalt  }
0x84: {  	_ =	shalt  }
0x85: {  	_ =	shalt  }
0x86: {  	_ =	shalt  }
0x87: {  	_ =	shalt  }
.Lfunc_end0:
.L_simem_size_0:
called_computation.1_lowered:
.L_overlay_start_0:
0x88: {  	s2 =	sld [smem:$0x3FD9]  }
0x89: {  	s3 =	sld [smem:$0x3FFE];
	_ =	sdelay $0x1  }
0x8a: {  	s1 =	srdreg.scid  }
0x8b: {  	s0 =	sand.u32 $0x1, s1  }
0x8c: {  	s15 =	sshll.u32 s0, $0xA;
	s2 =	sadd.s32 s3, s2  }
0x8d: {  	s2 =	sadd.s32 s2, s15  }
0x8e: {  	[smem:$0x3FC7] =	sst s2  }
0x8f: {  	_ = 	snop  }
0x90: {  	s2 =	sld [smem:$0x3FD0];
	_ =	sdelay $0x2  }
0x91: {  	s16 =	simm.s32 $0xA;
	s4 =	simm.s32 $0x10  }
0x92: {  	[smem:s4], [sflag:s16] =	dma.local [hbm:s2], $0x1  }
0x93: {  	_ =	swait.eq [sflag:s16], $0x1  }
0x94: {  	[sflag:s16] =	ssyncset.done $0x0  }
0x95: {  	s17 =	sld [smem:$0x11];
	[sflag:s16] =	ssyncadd.s32 $0xFFFFFFFF  }
0x96: {  	s18 =	sld [smem:$0x12];
	(tm) =	ssettm $0x1  }
0x97: {  	s19 =	sld [smem:$0x3FFB];
	_ =	sdelay $0x3  }
0x98: {  	_ =	strace s19  }
0x99: {  	s4 =	sld [smem:$0x3FFC];
	_ =	sdelay $0x3  }
0x9a: {  	_ =	strace s4  }
0x9b: {  	s4 =	sld [smem:$0x3FFD];
	_ =	sdelay $0x3  }
0x9c: {  	_ =	strace s4  }
0x9d: {  	_ =	strace $0x8FFFFFFF  }
0x9e: {  	s20 =	sld [smem:$0x3FDB];
	_ =	sdelay $0x1  }
0x9f: {  	s5 =	simm.s32 $_scs_section_size  }
0xa0: {  	s6 =	simm.s32 $_size__tile_overlayer_lowered;
	s7 =	simm.s32 $_tile_overlayer_lowered  }
0xa1: {  	s23 =	simm.s32 $0x1BFF;
	s22 =	sshll.u32 s7, $0x1;
	s4 =	sadd.s32 s5, s20  }
0xa2: {  	s8 =	simm.s32 $0x0;
	s21 =	sshll.u32 s6, $0x1;
	s6 =	sadd.s32 s22, s4  }
0xa3: {  	[timem:s8], [sflag:s23] =	dma.local [hbm:s6], s21  }
0xa4: {  	_ =	swait.ge [sflag:s23], s21  }
0xa5: {  	s5 =	ssub.s32 $0x0, s21;
	[sflag:s23] =	ssyncset.done $0x0  }
0xa6: {  	[sflag:s23] =	ssyncadd.s32 s5;
	_ =	sdelay $0x1  }
0xa7: {  	s24 =	simm.s32 $0x1B8B  }
0xa8: {  	_ =	swait.ge [sflag:s24], $0x1  }
0xa9: {  	[sflag:s24] =	ssyncset.done $0x0  }
0xaa: {  	s25 =	simm.s32 $0x1B8E;
	[sflag:s24] =	ssyncadd.s32 $0xFFFFFFFF  }
0xab: {  	s26 =	simm.s32 $execute0_lowered;
	[smem:$0x3FD2] =	sst s25  }
0xac: {  	s5 =	sshll.u32 s26, $0x1;
	_ =	strace $0x80000046;
	[dreg:$0x1] =	wrdreg $0xFFFFFFFF  }
0xad: {  	s28 =	simm.s32 $_size_execute0_lowered;
	s4 =	sadd.s32 s4, s5;
	[dreg:$0x0] =	wrdreg $0x0  }
0xae: {  	s5 =	sshll.u32 s28, $0x1;
	[dreg:$0x2] =	wrdreg s4  }
0xaf: {  	[dreg:$0x3] =	wrdreg s5  }
0xb0: {  	[dreg:$0x4] =	wrdreg $0xC0  }
0xb1: {  	_ =	task [dreg:s8], $0x5FFFF  }
0xb2: {  	[dreg:$0x1] =	wrdreg $0xFFFFFFFF  }
0xb3: {  	[dreg:$0x0] =	wrdreg $0x60  }
0xb4: {  	[dreg:$0x2] =	wrdreg s17  }
0xb5: {  	[dreg:$0x3] =	wrdreg s18  }
0xb6: {  	[dreg:$0x4] =	wrdreg $0x9  }
0xb7: {  	_ =	task.clear_ibuf [dreg:s8], $0x5FFFF;
	_ =	strace $0x90000046  }
0xb8: {  	s29 =	simm.s32 $0x9;
	_ =	strace $0x80000048  }
0xb9: {  	_ =	swait.ge [sflag:s29], $0x1  }
0xba: {  	[sflag:s29] =	ssyncadd.s32 $0xFFFFFFFF  }
0xbb: {  	_ =	strace $0x90000048  }
0xbc: {  	_ =	sfence  }
0xbd: {  	s30 =	sld [smem:$0x0];
	_ =	sdelay $0x2  }
0xbe: {  	s31 =	sshll.u32 s1, $0xD;
	s1 =	sshrl.u32 s1, $0x2  }
0xbf: {  	s3 =	sand.u32 $0x4000, s31;
	s1 =	sadd.s32 s1, s30  }
0xc0: {  	s0 =	sor.u32 s3, s0;
	s1 =	sshll.u32 s1, $0x11  }
0xc1: {  	s0 =	sor.u32 s1, s0  }
0xc2: {  	s0 =	sadd.s32 $0x8F2B, s0  }
0xc3: {  	[sflag:s0] =	ssyncadd.remote.s32 $0x1  }
0xc4: {  	_ =	sfence.sel $0xFFFF  }
0xc5: {  	[dreg:$0x0] =	wrdreg $0xFFFFFFFF;
	(pc) =	sbr.abs _section_cstart, $3  }
0xc6: {  	[dreg:$0x1] =	wrdreg $0xFFFFFFFF  }
0xc7: {  	_ =	task.clear_ibuf [dreg:s8], $0x2FFFF;
	_ =	strace $0x9FFFFFFF  }
0xc8: {  	(tm) =	ssettm $0x7FFFFFFF  }
0xc9: {  	_ =	shalt  }
tec
execute0_lowered:
.L_overlay_start_1:
0x0: {  	(tag) =	ssettag $0x1  }
0x1: {  	s1 =	srdreg.scid;
	s0 =	stileid.u32  }
0x2: {  	s18 =	sand.u32 $0x1, s1;
	s30 =	sshll.u32 s0, $0x1  }
0x3: {  	s20 =	rddreg [dreg:$0x0];
	s1 =	sor.u32 s18, s30  }
0x4: {  	s19 =	rddreg [dreg:$0x1];
	s2 =	simm.s32 $0x0;
	s3 =	smul.u32 $0x7D000, s1  }
0x5: {  	[smem:$0x7FF] =	sst s2  }
0x6: {  	s1 =	rddreg [dreg:$0x2];
	s21 =	sshrl.u32 s3, $0x3  }
0x7: {  	_ =	strace $0x80000047;
	s3 =	simm.s32 $0x1;
	s4 =	sadd.s32 s20, s21  }
0x8: {  	[tilespmem:s2], [sflag:$0x1] =	stream.linear.gather [hbm4b:s4+s2], $0xFA00, $0x38;
	[tilespmem:$0xFA00] =	vst v63  }
0x9: {  	_ =	swait.ge [sflag:s3], $0xFA00  }
0xa: {  	[sflag:s3] =	ssyncset.done $0x0  }
0xb: {  	s5 =	sadd.s32 s19, s21;
	[sflag:s3] =	ssyncadd.s32 $0xFFFF0600  }
0xc: {  	[hbm4b:s5+s2] =	stream.linear.scatter [tilespmem:s2], [sflag:$0x1], $0xFA00, $0x38;
	[tilespmem:$0xFA00] =	vst v63  }
0xd: {  	_ =	swait.ge [sflag:s3], $0xFA00  }
0xe: {  	s7 =	sadd.s32 $0x1F40, s21;
	[sflag:s3] =	ssyncset.done $0x0  }
0xf: {  	s6 =	sadd.s32 s20, s7;
	[sflag:s3] =	ssyncadd.s32 $0xFFFF0600  }
0x10: {  	[tilespmem:s2], [sflag:$0x1] =	stream.linear.gather [hbm4b:s6+s2], $0xFA00, $0x38;
	[tilespmem:$0xFA00] =	vst v63  }
0x11: {  	_ =	swait.ge [sflag:s3], $0xFA00  }
0x12: {  	[sflag:s3] =	ssyncset.done $0x0  }
0x13: {  	s7 =	sadd.s32 s19, s7;
	[sflag:s3] =	ssyncadd.s32 $0xFFFF0600  }
0x14: {  	[hbm4b:s7+s2] =	stream.linear.scatter [tilespmem:s2], [sflag:$0x1], $0xFA00, $0x38;
	[tilespmem:$0xFA00] =	vst v63  }
0x15: {  	_ =	swait.ge [sflag:s3], $0xFA00  }
0x16: {  	s9 =	sadd.s32 $0x3E80, s21;
	[sflag:s3] =	ssyncset.done $0x0  }
0x17: {  	s8 =	sadd.s32 s20, s9;
	[sflag:s3] =	ssyncadd.s32 $0xFFFF0600  }
0x18: {  	[tilespmem:s2], [sflag:$0x1] =	stream.linear.gather [hbm4b:s8+s2], $0xFA00, $0x38;
	[tilespmem:$0xFA00] =	vst v63  }
0x19: {  	_ =	swait.ge [sflag:s3], $0xFA00  }
0x1a: {  	[sflag:s3] =	ssyncset.done $0x0  }
0x1b: {  	s9 =	sadd.s32 s19, s9;
	[sflag:s3] =	ssyncadd.s32 $0xFFFF0600  }
0x1c: {  	[hbm4b:s9+s2] =	stream.linear.scatter [tilespmem:s2], [sflag:$0x1], $0xFA00, $0x38;
	[tilespmem:$0xFA00] =	vst v63  }
0x1d: {  	_ =	swait.ge [sflag:s3], $0xFA00  }
0x1e: {  	s11 =	sadd.s32 $0x5DC0, s21;
	[sflag:s3] =	ssyncset.done $0x0  }
0x1f: {  	s10 =	sadd.s32 s20, s11;
	[sflag:s3] =	ssyncadd.s32 $0xFFFF0600  }
0x20: {  	[tilespmem:s2], [sflag:$0x1] =	stream.linear.gather [hbm4b:s10+s2], $0xFA00, $0x38;
	[tilespmem:$0xFA00] =	vst v63  }
0x21: {  	_ =	swait.ge [sflag:s3], $0xFA00  }
0x22: {  	[sflag:s3] =	ssyncset.done $0x0  }
0x23: {  	s11 =	sadd.s32 s19, s11;
	[sflag:s3] =	ssyncadd.s32 $0xFFFF0600  }
0x24: {  	[hbm4b:s11+s2] =	stream.linear.scatter [tilespmem:s2], [sflag:$0x1], $0xFA00, $0x38;
	[tilespmem:$0xFA00] =	vst v63  }
0x25: {  	_ =	swait.ge [sflag:s3], $0xFA00  }
0x26: {  	s13 =	sadd.s32 $0x7D00, s21;
	[sflag:s3] =	ssyncset.done $0x0  }
0x27: {  	s12 =	sadd.s32 s20, s13;
	[sflag:s3] =	ssyncadd.s32 $0xFFFF0600  }
0x28: {  	[tilespmem:s2], [sflag:$0x1] =	stream.linear.gather [hbm4b:s12+s2], $0xFA00, $0x38;
	[tilespmem:$0xFA00] =	vst v63  }
0x29: {  	_ =	swait.ge [sflag:s3], $0xFA00  }
0x2a: {  	[sflag:s3] =	ssyncset.done $0x0  }
0x2b: {  	s13 =	sadd.s32 s19, s13;
	[sflag:s3] =	ssyncadd.s32 $0xFFFF0600  }
0x2c: {  	[hbm4b:s13+s2] =	stream.linear.scatter [tilespmem:s2], [sflag:$0x1], $0xFA00, $0x38;
	[tilespmem:$0xFA00] =	vst v63  }
0x2d: {  	_ =	swait.ge [sflag:s3], $0xFA00  }
0x2e: {  	s15 =	sadd.s32 $0x9C40, s21;
	[sflag:s3] =	ssyncset.done $0x0  }
0x2f: {  	s14 =	sadd.s32 s20, s15;
	[sflag:s3] =	ssyncadd.s32 $0xFFFF0600  }
0x30: {  	[tilespmem:s2], [sflag:$0x1] =	stream.linear.gather [hbm4b:s14+s2], $0xFA00, $0x38;
	[tilespmem:$0xFA00] =	vst v63  }
0x31: {  	_ =	swait.ge [sflag:s3], $0xFA00  }
0x32: {  	[sflag:s3] =	ssyncset.done $0x0  }
0x33: {  	s15 =	sadd.s32 s19, s15;
	[sflag:s3] =	ssyncadd.s32 $0xFFFF0600  }
0x34: {  	[hbm4b:s15+s2] =	stream.linear.scatter [tilespmem:s2], [sflag:$0x1], $0xFA00, $0x38;
	[tilespmem:$0xFA00] =	vst v63  }
0x35: {  	_ =	swait.ge [sflag:s3], $0xFA00  }
0x36: {  	s17 =	sadd.s32 $0xBB80, s21;
	[sflag:s3] =	ssyncset.done $0x0  }
0x37: {  	s16 =	sadd.s32 s20, s17;
	[sflag:s3] =	ssyncadd.s32 $0xFFFF0600  }
0x38: {  	[tilespmem:s2], [sflag:$0x1] =	stream.linear.gather [hbm4b:s16+s2], $0xFA00, $0x38;
	[tilespmem:$0xFA00] =	vst v63  }
0x39: {  	_ =	swait.ge [sflag:s3], $0xFA00  }
0x3a: {  	[sflag:s3] =	ssyncset.done $0x0  }
0x3b: {  	s22 =	ssub.s32 $0x2, s18;
	s17 =	sadd.s32 s19, s17;
	[sflag:s3] =	ssyncadd.s32 $0xFFFF0600  }
0x3c: {  	[hbm4b:s17+s2] =	stream.linear.scatter [tilespmem:s2], [sflag:$0x1], $0xFA00, $0x38;
	[tilespmem:$0xFA00] =	vst v63  }
0x3d: {  	s31 =	sshrl.u32 s22, $0x1;
	s21 =	sadd.s32 $0xDAC0, s21;
	_ =	swait.ge [sflag:s3], $0xFA00  }
0x3e: {  	s18 =	sadd.s32 s20, s21;
	s20 =	ssub.s32 s22, s31;
	[sflag:s3] =	ssyncset.done $0x0  }
0x3f: {  	s20 =	smax.u32 s20, $0x1;
	[sflag:s3] =	ssyncadd.s32 $0xFFFF0600  }
0x40: {  	[tilespmem:s2], [sflag:$0x1] =	stream.linear.gather [hbm4b:s18+s2], $0xFA00, $0x38;
	[tilespmem:$0xFA00] =	vst v63  }
0x41: {  	p0 =	sne.s32 s20, $0x1;
	_ =	swait.ge [sflag:s3], $0xFA00  }
.Ltmp0:
0x42: {  	[sflag:s3] =	ssyncset.done $0x0;
	(pc) =	sbr.rel @!p0 .LBB2_2-.Ltmp0, $4  }
0x43: {  	s19 =	sadd.s32 s19, s21;
	[sflag:s3] =	ssyncadd.s32 $0xFFFF0600  }
0x44: {  	[hbm4b:s19+s2] =	stream.linear.scatter [tilespmem:s2], [sflag:$0x1], $0xFA00, $0x38;
	[tilespmem:$0xFA00] =	vst v63  }
0x45: {  	_ =	swait.ge [sflag:s3], $0xFA00  }
0x46: {  	s20 =	sadd.s32 $0xFFFFFFFF, s20;
	[sflag:s3] =	ssyncset.done $0x0  }
.LBB2_1:
0x47: {  	p0 =	sne.s32 s20, $0x1;
	s20 =	sadd.s32 $0xFFFFFFFF, s20;
	[sflag:s3] =	ssyncadd.s32 $0xFFFF0600  }
0x48: {  	[tilespmem:s2], [sflag:$0x1] =	stream.linear.gather [hbm4b:s4+s2], $0xFA00, $0x38;
	[tilespmem:$0xFA00] =	vst v63  }
0x49: {  	_ =	swait.ge [sflag:s3], $0xFA00  }
0x4a: {  	[sflag:s3] =	ssyncset.done $0x0  }
0x4b: {  	[sflag:s3] =	ssyncadd.s32 $0xFFFF0600  }
0x4c: {  	[hbm4b:s5+s2] =	stream.linear.scatter [tilespmem:s2], [sflag:$0x1], $0xFA00, $0x38;
	[tilespmem:$0xFA00] =	vst v63  }
0x4d: {  	_ =	swait.ge [sflag:s3], $0xFA00  }
0x4e: {  	[sflag:s3] =	ssyncset.done $0x0  }
0x4f: {  	[sflag:s3] =	ssyncadd.s32 $0xFFFF0600  }
0x50: {  	[tilespmem:s2], [sflag:$0x1] =	stream.linear.gather [hbm4b:s6+s2], $0xFA00, $0x38;
	[tilespmem:$0xFA00] =	vst v63  }
0x51: {  	_ =	swait.ge [sflag:s3], $0xFA00  }
0x52: {  	[sflag:s3] =	ssyncset.done $0x0  }
0x53: {  	[sflag:s3] =	ssyncadd.s32 $0xFFFF0600  }
0x54: {  	[hbm4b:s7+s2] =	stream.linear.scatter [tilespmem:s2], [sflag:$0x1], $0xFA00, $0x38;
	[tilespmem:$0xFA00] =	vst v63  }
0x55: {  	_ =	swait.ge [sflag:s3], $0xFA00  }
0x56: {  	[sflag:s3] =	ssyncset.done $0x0  }
0x57: {  	[sflag:s3] =	ssyncadd.s32 $0xFFFF0600  }
0x58: {  	[tilespmem:s2], [sflag:$0x1] =	stream.linear.gather [hbm4b:s8+s2], $0xFA00, $0x38;
	[tilespmem:$0xFA00] =	vst v63  }
0x59: {  	_ =	swait.ge [sflag:s3], $0xFA00  }
0x5a: {  	[sflag:s3] =	ssyncset.done $0x0  }
0x5b: {  	[sflag:s3] =	ssyncadd.s32 $0xFFFF0600  }
0x5c: {  	[hbm4b:s9+s2] =	stream.linear.scatter [tilespmem:s2], [sflag:$0x1], $0xFA00, $0x38;
	[tilespmem:$0xFA00] =	vst v63  }
0x5d: {  	_ =	swait.ge [sflag:s3], $0xFA00  }
0x5e: {  	[sflag:s3] =	ssyncset.done $0x0  }
0x5f: {  	[sflag:s3] =	ssyncadd.s32 $0xFFFF0600  }
0x60: {  	[tilespmem:s2], [sflag:$0x1] =	stream.linear.gather [hbm4b:s10+s2], $0xFA00, $0x38;
	[tilespmem:$0xFA00] =	vst v63  }
0x61: {  	_ =	swait.ge [sflag:s3], $0xFA00  }
0x62: {  	[sflag:s3] =	ssyncset.done $0x0  }
0x63: {  	[sflag:s3] =	ssyncadd.s32 $0xFFFF0600  }
0x64: {  	[hbm4b:s11+s2] =	stream.linear.scatter [tilespmem:s2], [sflag:$0x1], $0xFA00, $0x38;
	[tilespmem:$0xFA00] =	vst v63  }
0x65: {  	_ =	swait.ge [sflag:s3], $0xFA00  }
0x66: {  	[sflag:s3] =	ssyncset.done $0x0  }
0x67: {  	[sflag:s3] =	ssyncadd.s32 $0xFFFF0600  }
0x68: {  	[tilespmem:s2], [sflag:$0x1] =	stream.linear.gather [hbm4b:s12+s2], $0xFA00, $0x38;
	[tilespmem:$0xFA00] =	vst v63  }
0x69: {  	_ =	swait.ge [sflag:s3], $0xFA00  }
0x6a: {  	[sflag:s3] =	ssyncset.done $0x0  }
0x6b: {  	[sflag:s3] =	ssyncadd.s32 $0xFFFF0600  }
0x6c: {  	[hbm4b:s13+s2] =	stream.linear.scatter [tilespmem:s2], [sflag:$0x1], $0xFA00, $0x38;
	[tilespmem:$0xFA00] =	vst v63  }
0x6d: {  	_ =	swait.ge [sflag:s3], $0xFA00  }
0x6e: {  	[sflag:s3] =	ssyncset.done $0x0  }
0x6f: {  	[sflag:s3] =	ssyncadd.s32 $0xFFFF0600  }
0x70: {  	[tilespmem:s2], [sflag:$0x1] =	stream.linear.gather [hbm4b:s14+s2], $0xFA00, $0x38;
	[tilespmem:$0xFA00] =	vst v63  }
0x71: {  	_ =	swait.ge [sflag:s3], $0xFA00  }
0x72: {  	[sflag:s3] =	ssyncset.done $0x0  }
0x73: {  	[sflag:s3] =	ssyncadd.s32 $0xFFFF0600  }
0x74: {  	[hbm4b:s15+s2] =	stream.linear.scatter [tilespmem:s2], [sflag:$0x1], $0xFA00, $0x38;
	[tilespmem:$0xFA00] =	vst v63  }
0x75: {  	_ =	swait.ge [sflag:s3], $0xFA00  }
0x76: {  	[sflag:s3] =	ssyncset.done $0x0  }
0x77: {  	[sflag:s3] =	ssyncadd.s32 $0xFFFF0600  }
0x78: {  	[tilespmem:s2], [sflag:$0x1] =	stream.linear.gather [hbm4b:s16+s2], $0xFA00, $0x38;
	[tilespmem:$0xFA00] =	vst v63  }
0x79: {  	_ =	swait.ge [sflag:s3], $0xFA00  }
0x7a: {  	[sflag:s3] =	ssyncset.done $0x0  }
0x7b: {  	[sflag:s3] =	ssyncadd.s32 $0xFFFF0600  }
0x7c: {  	[hbm4b:s17+s2] =	stream.linear.scatter [tilespmem:s2], [sflag:$0x1], $0xFA00, $0x38;
	[tilespmem:$0xFA00] =	vst v63  }
0x7d: {  	_ =	swait.ge [sflag:s3], $0xFA00  }
0x7e: {  	[sflag:s3] =	ssyncset.done $0x0  }
0x7f: {  	[sflag:s3] =	ssyncadd.s32 $0xFFFF0600  }
0x80: {  	[tilespmem:s2], [sflag:$0x1] =	stream.linear.gather [hbm4b:s18+s2], $0xFA00, $0x38;
	[tilespmem:$0xFA00] =	vst v63  }
0x81: {  	_ =	swait.ge [sflag:s3], $0xFA00  }
.Ltmp1:
0x82: {  	[sflag:s3] =	ssyncset.done $0x0;
	(pc) =	sbr.rel @p0 .LBB2_1-.Ltmp1, $4  }
0x83: {  	[sflag:s3] =	ssyncadd.s32 $0xFFFF0600  }
0x84: {  	[hbm4b:s19+s2] =	stream.linear.scatter [tilespmem:s2], [sflag:$0x1], $0xFA00, $0x38;
	[tilespmem:$0xFA00] =	vst v63  }
0x85: {  	_ =	swait.ge [sflag:s3], $0xFA00  }
0x86: {  	[sflag:s3] =	ssyncset.done $0x0  }
.LBB2_2:
0x87: {  	[sflag:s3] =	ssyncadd.s32 $0xFFFF0600  }
0x88: {  	_ =	sfence.sel $0x180000  }
0x89: {  	[bflag:$0x0] =	sbarrier.arrive $0xFFFF  }
0x8a: {  	p0 =	sne.s32 s0, $0x0;
	_ =	strace $0x90000047  }
0x8b: {  	s0 =	sadd.s32 @!p0 $0x100000, s1;
	[bflag:$0x2] =	sbarrier.arrive $0xFFFF  }
0x8c: {  	[sflag:s0] =	ssyncadd.tile.s32 @!p0 $0x1;
	_ =	shalt  }
.Lfunc_end2:
_tile_overlayer_lowered:
.L_overlay_start_2:
0x8d: {  	(tag) =	ssettag $0x2  }
0x8e: {  	s0 =	rddreg [dreg:$0x0];
	s2 =	stileid.u32  }
0x8f: {  	s1 =	rddreg [dreg:$0x1];
	p0 =	sne.s32 s2, $0x0  }
0x90: {  	s3 =	rddreg [dreg:$0x2];
	[bflag:$0x3] =	sbarrier.arrive $0xFFFF;
	s2 =	simm.s32 @!p0 $0x1C01  }
0x91: {  	[timem:s3], [sflag:s2] =	dma.local @!p0 [hbm:s0], s1  }
0x92: {  	s0 =	simm.s32 @!p0 $0x1  }
0x93: {  	_ =	swait.ge @!p0 [sflag:s0], s1  }
0x94: {  	s1 =	ssub.s32 @!p0 $0x0, s1;
	[sflag:s0] =	ssyncset.done @!p0 $0x0  }
0x95: {  	[sflag:s0] =	ssyncadd.s32 @!p0 s1  }
0x96: {  	[bflag:$0x3] =	sbarrier.arrive $0xFFFF  }
0x97: {  	_ =	shalt  }

// kernel: sparse-core-data-format-call.cloned.1.call-start
scs
called_computation_lowered:
.L_overlay_start_0:
0x0: {  	s2 =	sld [smem:$0x3FD9]  }
0x1: {  	s3 =	sld [smem:$0x3FFE];
	_ =	sdelay $0x1  }
0x2: {  	s1 =	srdreg.scid  }
0x3: {  	s0 =	sand.u32 $0x1, s1  }
0x4: {  	s15 =	sshll.u32 s0, $0xA;
	s2 =	sadd.s32 s3, s2  }
0x5: {  	s2 =	sadd.s32 s2, s15  }
0x6: {  	[smem:$0x3FC7] =	sst s2  }
0x7: {  	_ = 	snop  }
0x8: {  	s2 =	sld [smem:$0x3FD0];
	_ =	sdelay $0x2  }
0x9: {  	s16 =	simm.s32 $0xA;
	s4 =	simm.s32 $0x10  }
0xa: {  	[smem:s4], [sflag:s16] =	dma.local [hbm:s2], $0x1  }
0xb: {  	_ =	swait.eq [sflag:s16], $0x1  }
0xc: {  	[sflag:s16] =	ssyncset.done $0x0  }
0xd: {  	[sflag:s16] =	ssyncadd.s32 $0xFFFFFFFF  }
0xe: {  	s17 =	sld [smem:$0x11];
	(tm) =	ssettm $0x1  }
0xf: {  	s18 =	sld [smem:$0x3FFB];
	_ =	sdelay $0x3  }
0x10: {  	_ =	strace s18  }
0x11: {  	s3 =	sld [smem:$0x3FFC];
	_ =	sdelay $0x3  }
0x12: {  	_ =	strace s3  }
0x13: {  	s3 =	sld [smem:$0x3FFD];
	_ =	sdelay $0x3  }
0x14: {  	_ =	strace s3  }
0x15: {  	_ =	strace $0x8FFFFFFF  }
0x16: {  	s19 =	sld [smem:$0x3FDB];
	_ =	sdelay $0x1  }
0x17: {  	s20 =	simm.s32 $_scs_section_size  }
0x18: {  	s5 =	simm.s32 $_size__tile_overlayer_lowered;
	s6 =	simm.s32 $_tile_overlayer_lowered  }
0x19: {  	s23 =	simm.s32 $0x1BFF;
	s22 =	sshll.u32 s6, $0x1;
	s3 =	sadd.s32 s20, s19  }
0x1a: {  	s7 =	simm.s32 $0x0;
	s21 =	sshll.u32 s5, $0x1;
	s5 =	sadd.s32 s22, s3  }
0x1b: {  	[timem:s7], [sflag:s23] =	dma.local [hbm:s5], s21  }
0x1c: {  	_ =	swait.ge [sflag:s23], s21  }
0x1d: {  	s4 =	ssub.s32 $0x0, s21;
	[sflag:s23] =	ssyncset.done $0x0  }
0x1e: {  	[sflag:s23] =	ssyncadd.s32 s4;
	_ =	sdelay $0x1  }
0x1f: {  	s24 =	simm.s32 $0x1B8B  }
0x20: {  	_ =	swait.ge [sflag:s24], $0x1  }
0x21: {  	[sflag:s24] =	ssyncset.done $0x0  }
0x22: {  	s26 =	simm.s32 $0x1B8E;
	s25 =	sld [smem:$0x3FFE];
	[sflag:s24] =	ssyncadd.s32 $0xFFFFFFFF  }
0x23: {  	s27 =	simm.s32 $execute0_lowered;
	[smem:$0x3FD2] =	sst s26  }
0x24: {  	s5 =	sshll.u32 s27, $0x1;
	_ =	strace $0x80000049;
	[dreg:$0x1] =	wrdreg $0xFFFFFFFF  }
0x25: {  	s28 =	simm.s32 $_size_execute0_lowered;
	s3 =	sadd.s32 s3, s5;
	[dreg:$0x0] =	wrdreg $0x0  }
0x26: {  	s5 =	sshll.u32 s28, $0x1;
	[dreg:$0x2] =	wrdreg s3  }
0x27: {  	[dreg:$0x3] =	wrdreg s5  }
0x28: {  	[dreg:$0x4] =	wrdreg $0xC0  }
0x29: {  	_ =	task [dreg:s7], $0x5FFFF  }
0x2a: {  	[dreg:$0x1] =	wrdreg $0xFFFFFFFF  }
0x2b: {  	[dreg:$0x0] =	wrdreg $0x60  }
0x2c: {  	[dreg:$0x2] =	wrdreg s25  }
0x2d: {  	[dreg:$0x3] =	wrdreg s17  }
0x2e: {  	[dreg:$0x4] =	wrdreg $0x9  }
0x2f: {  	_ =	task.clear_ibuf [dreg:s7], $0x5FFFF;
	_ =	strace $0x90000049  }
0x30: {  	s29 =	simm.s32 $0x9;
	_ =	strace $0x8000004B  }
0x31: {  	_ =	swait.ge [sflag:s29], $0x1  }
0x32: {  	[sflag:s29] =	ssyncadd.s32 $0xFFFFFFFF  }
0x33: {  	_ =	strace $0x9000004B  }
0x34: {  	_ =	sfence  }
0x35: {  	s30 =	sld [smem:$0x0];
	_ =	sdelay $0x2  }
0x36: {  	s31 =	sshll.u32 s1, $0xD;
	s1 =	sshrl.u32 s1, $0x2  }
0x37: {  	s3 =	sand.u32 $0x4000, s31;
	s1 =	sadd.s32 s1, s30  }
0x38: {  	s0 =	sor.u32 s3, s0;
	s1 =	sshll.u32 s1, $0x11  }
0x39: {  	s0 =	sor.u32 s1, s0  }
0x3a: {  	s0 =	sadd.s32 $0x8F2B, s0  }
0x3b: {  	[sflag:s0] =	ssyncadd.remote.s32 $0x1  }
0x3c: {  	_ =	sfence.sel $0xFFFF  }
0x3d: {  	[dreg:$0x0] =	wrdreg $0xFFFFFFFF;
	(pc) =	sbr.abs _section_cstart, $3  }
0x3e: {  	[dreg:$0x1] =	wrdreg $0xFFFFFFFF  }
0x3f: {  	_ =	task.clear_ibuf [dreg:s7], $0x2FFFF;
	_ =	strace $0x9FFFFFFF  }
0x40: {  	(tm) =	ssettm $0x7FFFFFFF  }
0x41: {  	_ =	shalt  }
tec
execute0_lowered:
.L_overlay_start_1:
0x0: {  	(tag) =	ssettag $0x1  }
0x1: {  	s0 =	srdreg.scid;
	s5 =	rddreg [dreg:$0x0]  }
0x2: {  	s3 =	rddreg [dreg:$0x1];
	s1 =	sshll.u32 s0, $0x4  }
0x3: {  	s7 =	simm.s32 $0x1;
	s0 =	stileid.u32;
	s1 =	sand.u32 $0x10, s1  }
0x4: {  	s8 =	simm.s32 $0x2;
	s15 =	simm.s32 $0x0;
	s1 =	sor.u32 s0, s1  }
0x5: {  	s14 =	simm.s32 $0x0;
	s9 =	simm.s32 $0x0;
	s2 =	sshll.u32 s1, $0x7  }
0x6: {  	s10 =	simm.s32 $0x0;
	s11 =	simm.s32 $0x0;
	s6 =	ssub.s32 $0x4000, s2  }
0x7: {  	s13 =	simm.s32 $0x0;
	s5 =	sadd.s32 $0x200A00, s5;
	s4 =	sand.u32 $0xF80, s6  }
.Ltmp0:
0x8: {  	s1 =	rddreg [dreg:$0x2];
	p0 =	sne.s32 s4, $0x0;
	(pc) =	sbr.rel .LBB1_1-.Ltmp0, $4  }
0x9: {  	_ =	strace $0x8000004A;
	s6 =	sshrl.u32 s6, $0xC;
	s7 =	simm.s32 @!p0 $0x0  }
0xa: {  	s12 =	smov.u32 s2;
	s4 =	simm.s32 $0x1;
	s6 =	sadd.s32 s7, s6  }
0xb: {  	[sflag:s4] =	ssyncpa.u1 $0x0;
	p0 =	por $0x0, $0x0;
	s6 =	sshll.u32 s6, $0x3  }
0xc: {  	[sflag:s8] =	ssyncpa.u1 $0x0;
	s8 =	simm.s32 $0x20000;
	s7 =	sor.u32 $0x1, s6  }
.LBB1_4:
0xd: {  	s20 =	sshra.s32 s20, $0x2  }
0xe: {  	s28 =	sand.u32 $0x78, s10;
	s21 =	sshll.u32 s9, $0xE;
	s22 =	sshll.u32 s10, $0x3  }
0xf: {  	s24 =	sshll.u32 s9, $0x7;
	p1 =	sgt.s32 s9, $0x368;
	s30 =	sshra.s32 s9, $0x1F  }
0x10: {  	s26 =	sshra.s32 s10, $0x1F;
	s19 =	sadd.s32 s20, s19;
	s21 =	sand.u32 $0xFFFE0000, s21  }
0x11: {  	v5 =	vld [tilespmem:s17+$0xFFFFFFD0];
	[tilespmem:s18+$0x2040 ss:$0x81] =	vst.msk $0xffff, v4;
	s23 =	sand.u32 $0xFFFFFC00, s22;
	s29 =	sand.u32 $0x380, s24;
	s22 =	sand.u32 $0x3C00, s22  }
0x12: {  	v58 =	vld [tilespmem:s17+$0xFFFFFFE0];
	[tilespmem:s18+$0x2850 ss:$0x81] =	vst.msk $0xffff, v3;
	s21 =	sadd.s32 s23, s21;
	s20 =	sor.u32 s28, s22;
	s22 =	smov.u32 s9  }
0x13: {  	v59 =	vld [tilespmem:s17+$0xFFFFFFF0];
	[tilespmem:s18+$0x3060 ss:$0x81] =	vst.msk $0xffff, v2;
	s24 =	sand.u32 s30, s9;
	s21 =	sshrl.u32 s21, $0xE;
	s22 =	simm.s32 @!p1 $0x368  }
0x14: {  	v60 =	vld [tilespmem:s17+$0x0];
	[tilespmem:s18+$0x0 ss:$0x81] =	vst.msk $0xffff, v1;
	p1 =	sgt.s32 s10, $0x3F80;
	s31 =	ssub.s32 s22, s24;
	s22 =	smov.u32 s10  }
0x15: {  	v61 =	vld [tilespmem:s17+$0x10];
	[tilespmem:s19+$0x3870 ss:$0x81] =	vst.msk $0xffff, v0;
	s25 =	smulhi.u32 $0x418938, s21;
	s24 =	sand.u32 s26, s10;
	s22 =	simm.s32 @!p1 $0x3F80  }
0x16: {  	v62 =	vld [tilespmem:s17+$0x20];
	s20 =	sor.u32 s29, s20;
	[tilespmem:s19+$0x810 ss:$0x81] =	vst.msk $0xffff, v5;
	s27 =	sadd.s32 $0xFFFFFC98, s31;
	s22 =	ssub.s32 s22, s24  }
0x17: {  	v63 =	vld [tilespmem:s17+$0xFFFFFFC0];
	[tilespmem:s19+$0x1020 ss:$0x81] =	vst.msk $0xffff, v58;
	s18 =	ssub.s32 $0x3E8, s31;
	s28 =	smul.u32 $0x3E8, s25;
	s29 =	sadd.s32 $0xFFFFC080, s22  }
0x18: {  	[tilespmem:s19+$0x1830 ss:$0x81] =	vst.msk $0xffff, v59;
	p1 =	sgt.s32 s27, $0x7F;
	s22 =	ssub.s32 $0x4000, s22;
	p2 =	sgt.s32 s29, $0x7F  }
0x19: {  	s30 =	sand.u32 $0x7, s10;
	[tilespmem:s19+$0x2040 ss:$0x81] =	vst.msk $0xffff, v60;
	s18 =	simm.s32 @p1 $0x0;
	s22 =	simm.s32 @p2 $0x0  }
0x1a: {  	s20 =	sshrl.u32 s20, $0x3;
	[tilespmem:s19+$0x2850 ss:$0x81] =	vst.msk $0xffff, v61;
	s17 =	ssub.s32 s21, s28;
	s18 =	smul.u32 s22, s18  }
0x1b: {  	[tilespmem:s19+$0x3060 ss:$0x81] =	vst.msk $0xffff, v62;
	s20 =	sadd.s32 s3, s20;
	s21 =	sshll.u32 s30, $0x12;
	s17 =	sshll.u32 s17, $0xB  }
0x1c: {  	[tilespmem:s19+$0x0 ss:$0x81] =	vst.msk $0xffff, v63;
	s31 =	sor.u32 $0x400, s21;
	s17 =	sadd.s32 s17, s20;
	s18 =	sand.u32 $0x3FFFFFFF, s18  }
0x1d: {  	[hbm4b:s17+s31] =	stream.strided.scatter [tilespmem:s16], [sflag:$0x2], s18, s8, s31, $0x20;
	[tilespmem:$0x10100] =	vst v63  }
.LBB1_5:
0x1e: {  	p1 =	slt.u32 s13, $0x2  }
0x1f: {  	s17 =	smov.u32 s15;
	p2 =	sgt.s32 @!p1 s15, $0x368;
	s16 =	sshra.s32 @!p1 s15, $0x1F  }
0x20: {  	p3 =	sgt.s32 @!p1 s14, $0x3F80;
	s18 =	sshra.s32 @!p1 s14, $0x1F;
	p2 =	por !p2, p1  }
0x21: {  	s15 =	sand.u32 @!p1 s16, s15;
	p3 =	por !p3, p1;
	s16 =	smov.u32 s14  }
0x22: {  	s14 =	sand.u32 @!p1 s18, s14;
	s17 =	simm.s32 @p2 $0x368;
	s16 =	simm.s32 @p3 $0x3F80  }
0x23: {  	s15 =	ssub.s32 @!p1 s17, s15;
	s14 =	ssub.s32 @!p1 s16, s14  }
0x24: {  	s18 =	smov.u32 s12;
	s16 =	sadd.s32 @!p1 $0xFFFFFC98, s15;
	s17 =	sadd.s32 @!p1 $0xFFFFC080, s14  }
0x25: {  	s15 =	ssub.s32 @!p1 $0x3E8, s15;
	p2 =	sgt.s32 @!p1 s16, $0x7F;
	p3 =	sgt.s32 @!p1 s17, $0x7F  }
0x26: {  	s14 =	ssub.s32 @!p1 $0x4000, s14;
	p2 =	por !p2, p1;
	p3 =	por !p3, p1  }
0x27: {  	s16 =	sadd.s32 $0x80, s11;
	s15 =	simm.s32 @!p2 $0x0;
	s14 =	simm.s32 @!p3 $0x0  }
0x28: {  	p2 =	sgt.s32 s16, $0x3E7;
	s14 =	smul.u32 @!p1 s14, s15;
	s15 =	sadd.s32 $0x1000, s12  }
0x29: {  	s18 =	smov.u32 @p2 s15  }
0x2a: {  	s16 =	simm.s32 @p2 $0x0;
	p2 =	sgt.s32 s18, $0x3FFF  }
0x2b: {  	s18 =	smov.u32 @p2 s2;
	p2 =	sne.s32 s13, s7  }
.Ltmp1:
0x2c: {  	p0 =	por !p0, !p0;
	s17 =	simm.s32 @!p1 $0x2;
	(pc) =	sbr.rel @!p2 .LBB1_6-.Ltmp1, $4  }
0x2d: {  	s15 =	smov.u32 s9;
	s9 =	smov.u32 s11;
	s14 =	sand.u32 @!p1 $0x3FFFFFFF, s14  }
0x2e: {  	s11 =	smov.u32 s16;
	_ =	swait.ge @!p1 [sflag:s17], s14;
	s19 =	ssub.s32 @!p1 $0x0, s14  }
0x2f: {  	s14 =	smov.u32 s10;
	s13 =	sadd.s32 $0x1, s13;
	[sflag:s17] =	ssyncset.done @!p1 $0x0  }
0x30: {  	s10 =	smov.u32 s12;
	s12 =	smov.u32 s18;
	[sflag:s17] =	ssyncadd.s32 @!p1 s19  }
.LBB1_1:
0x31: {  	p1 =	sge.u32 s13, s6  }
0x32: {  	s31 =	sadd.s32 $0xFFFFFFFF, s13;
	s16 =	sshll.u32 @!p1 s12, $0xA  }
0x33: {  	s17 =	sshll.u32 @!p1 s11, $0x3;
	s18 =	sshll.u32 @!p1 s12, $0x7;
	s16 =	sand.u32 @!p1 $0xFFE000, s16  }
0x34: {  	s19 =	sand.u32 @!p1 $0x78, s11;
	s16 =	sadd.s32 @!p1 s16, s17;
	s17 =	sand.u32 @!p1 $0x380, s18  }
0x35: {  	s18 =	sxor.u32 @!p1 $0xFFFFFFFF, s13;
	s16 =	sand.u32 @!p1 $0xFFFC00, s16;
	s17 =	sor.u32 @!p1 s17, s19  }
0x36: {  	s18 =	sshll.u32 @!p1 s18, $0xE;
	s16 =	sor.u32 @!p1 s16, s17;
	s17 =	sand.u32 @!p1 $0x7, s11  }
0x37: {  	s19 =	simm.s32 @!p1 $0x2000;
	s16 =	sshrl.u32 @!p1 s16, $0x3;
	s17 =	sshll.u32 @!p1 s17, $0x12  }
0x38: {  	s18 =	sand.u32 @!p1 $0x4000, s18;
	s16 =	sadd.s32 @!p1 s5, s16;
	s17 =	sor.u32 @!p1 $0x400, s17  }
0x39: {  	[tilespmem:s18], [sflag:$0x1] =	stream.strided.gather @!p1 [hbm4b:s16+s17], $0x4000, s19, s17, $0x38;
	[tilespmem:$0x10100] =	vst v63  }
0x3a: {  	p1 =	sge.u32 s31, s6  }
.Ltmp2:
0x3b: {  	_ = 	snop;
	(pc) =	sbr.rel @p1 .LBB1_5-.Ltmp2, $1  }
0x3c: {  	_ =	sdelay $0x3  }
0x3d: {  	s16 =	simm.s32 $0x1  }
0x3e: {  	_ =	swait.ge [sflag:s4], $0x4000;
	s16 =	simm.s32 @!p0 $0x0  }
0x3f: {  	[sflag:s4] =	ssyncset.done $0x0;
	s17 =	sshll.u32 s16, $0xE  }
0x40: {  	[sflag:s4] =	ssyncadd.s32 $0xFFFFC000;
	s17 =	sor.u32 $0x40, s17  }
0x41: {  	s16 =	smul.u32 $0x10200, s16;
	v0 =	vld [tilespmem:s17+$0x30]  }
0x42: {  	v1 =	vld [tilespmem:s17+$0xFFFFFFD0]  }
0x43: {  	s16 =	sshrl.u32 s16, $0x2;
	v5 =	vld [tilespmem:s17+$0xFFFFFFE0]  }
0x44: {  	v6 =	vld [tilespmem:s17+$0xFFFFFFF0];
	s19 =	sor.u32 $0x8000, s16  }
0x45: {  	s31 =	sand.u32 $0x1, s13;
	v4 =	vld [tilespmem:s17+$0x0];
	s18 =	sadd.s32 $0x0, s19  }
0x46: {  	v3 =	vld [tilespmem:s17+$0x10];
	s16 =	smul.u32 $0x10200, s31;
	[tilespmem:s18+$0x3870 ss:$0x81] =	vst.msk $0xffff, v0  }
0x47: {  	v2 =	vld [tilespmem:s17+$0x20];
	[tilespmem:s18+$0x810 ss:$0x81] =	vst.msk $0xffff, v1  }
0x48: {  	s16 =	sshrl.u32 s16, $0x2;
	v1 =	vld [tilespmem:s17+$0xFFFFFFC0];
	[tilespmem:s18+$0x1020 ss:$0x81] =	vst.msk $0xffff, v5;
	s17 =	sadd.s32 $0x80, s17  }
0x49: {  	s20 =	simm.s32 $0x4;
	s21 =	simm.s32 $0x8;
	s16 =	sor.u32 $0x8000, s16;
	[tilespmem:s18+$0x1830 ss:$0x81] =	vst.msk $0xffff, v6;
	v0 =	vld [tilespmem:s17+$0x30]  }
.LBB1_3:
0x4a: {  	p1 =	sne.s32 s21, $0x1FC;
	v5 =	vld [tilespmem:s17+$0xFFFFFFD0];
	[tilespmem:s18+$0x2040 ss:$0x81] =	vst.msk $0xffff, v4  }
0x4b: {  	v6 =	vld [tilespmem:s17+$0xFFFFFFE0];
	[tilespmem:s18+$0x2850 ss:$0x81] =	vst.msk $0xffff, v3  }
0x4c: {  	s22 =	sshra.s32 s20, $0x2;
	s20 =	smov.u32 s21;
	v7 =	vld [tilespmem:s17+$0xFFFFFFF0];
	[tilespmem:s18+$0x3060 ss:$0x81] =	vst.msk $0xffff, v2  }
.Ltmp3:
0x4d: {  	v4 =	vld [tilespmem:s17+$0x0];
	[tilespmem:s18+$0x0 ss:$0x81] =	vst.msk $0xffff, v1;
	s18 =	sadd.s32 s22, s19;
	(pc) =	sbr.rel @p1 .LBB1_3-.Ltmp3, $4  }
0x4e: {  	v3 =	vld [tilespmem:s17+$0x10];
	[tilespmem:s18+$0x3870 ss:$0x81] =	vst.msk $0xffff, v0  }
0x4f: {  	[tilespmem:s18+$0x810 ss:$0x81] =	vst.msk $0xffff, v5;
	v2 =	vld [tilespmem:s17+$0x20]  }
0x50: {  	v1 =	vld [tilespmem:s17+$0xFFFFFFC0];
	[tilespmem:s18+$0x1020 ss:$0x81] =	vst.msk $0xffff, v6;
	s17 =	sadd.s32 $0x80, s17  }
0x51: {  	s21 =	sadd.s32 $0x4, s21;
	v0 =	vld [tilespmem:s17+$0x30];
	[tilespmem:s18+$0x1830 ss:$0x81] =	vst.msk $0xffff, v7  }
.Ltmp4:
0x52: {  	_ = 	snop;
	(pc) =	sbr.rel .LBB1_4-.Ltmp4, $1  }
0x53: {  	_ =	sdelay $0x3  }
.LBB1_6:
0x54: {  	_ =	sfence.sel $0x180000  }
0x55: {  	s2 =	simm.s32 $0x1;
	[bflag:$0x0] =	sbarrier.arrive $0xFFFF  }
0x56: {  	s31 =	simm.s32 $0x2;
	[sflag:s2] =	ssyncpa.u1 $0x1  }
0x57: {  	[sflag:s31] =	ssyncpa.u1 $0x1  }
0x58: {  	p0 =	sne.s32 s0, $0x0;
	_ =	strace $0x9000004A  }
0x59: {  	s0 =	sadd.s32 @!p0 $0x100000, s1;
	[bflag:$0x2] =	sbarrier.arrive $0xFFFF  }
0x5a: {  	[sflag:s0] =	ssyncadd.tile.s32 @!p0 $0x1;
	_ =	shalt  }
.Lfunc_end1:
_tile_overlayer_lowered:
.L_overlay_start_2:
0x5b: {  	(tag) =	ssettag $0x2  }
0x5c: {  	s0 =	rddreg [dreg:$0x0];
	s2 =	stileid.u32  }
0x5d: {  	s1 =	rddreg [dreg:$0x1];
	p0 =	sne.s32 s2, $0x0  }
0x5e: {  	s3 =	rddreg [dreg:$0x2];
	[bflag:$0x3] =	sbarrier.arrive $0xFFFF;
	s2 =	simm.s32 @!p0 $0x1C01  }
0x5f: {  	[timem:s3], [sflag:s2] =	dma.local @!p0 [hbm:s0], s1  }
0x60: {  	s0 =	simm.s32 @!p0 $0x1  }
0x61: {  	_ =	swait.ge @!p0 [sflag:s0], s1  }
0x62: {  	s1 =	ssub.s32 @!p0 $0x0, s1;
	[sflag:s0] =	ssyncset.done @!p0 $0x0  }
0x63: {  	[sflag:s0] =	ssyncadd.s32 @!p0 s1  }
0x64: {  	[bflag:$0x3] =	sbarrier.arrive $0xFFFF  }
0x65: {  	_ =	shalt  }

</sc_bundles>
